<compile_context>
chip_gen: v7x
topology: tpu7x:2x2x1
jax: 0.10.2.dev20260603
libtpu: 0.0.44.dev20260713+nightly
codegen_flags: <defaults>
</compile_context>

<pallas_src>
import jax
import jax.numpy as jnp
from jax import lax
from jax.experimental import pallas as pl
from jax.experimental.pallas import tpu as pltpu
from jax.experimental.pallas import tpu_sc as plsc

XMIN = -51.2
YMIN = -51.2
VOXX = 0.2
VOXY = 0.2
GH = 512
GW = 512
NCELL = GH * GW
NSEC = 32
SEC = NCELL // NSEC
SEC_SHIFT = 13
ROWW = 128
CH = 64
DUMP = NCELL

NTILE = 16
PPT = 8192
K = 128


def _idx_body(pts_ref, msk_ref, idx_ref):
    x = pts_ref[0, 0]
    y = pts_ref[0, 1]
    m = msk_ref[0]
    xi = jnp.floor((x - XMIN) / VOXX).astype(jnp.int32)
    yi = jnp.floor((y - YMIN) / VOXY).astype(jnp.int32)
    valid = (m > 0) & (xi >= 0) & (xi < GW) & (yi >= 0) & (yi < GH)
    flat = jnp.clip(yi, 0, GH - 1) * GW + jnp.clip(xi, 0, GW - 1)
    idx_ref[0] = jnp.where(valid, flat, DUMP)


def _table_body(fv_ref, tab_ref):
    x = fv_ref[0]
    xt = x.T
    ones = jnp.ones((xt.shape[0], 1), jnp.float32)
    pad = jnp.zeros((xt.shape[0], ROWW - CH - 1), jnp.float32)
    tab_ref[...] = jnp.concatenate([xt, ones, pad], axis=1)


def _final_body(acc_ref, out_ref):
    a = acc_ref[0]
    s = a[:, :CH]
    c = a[:, CH:CH + 1]
    bev = (s / jnp.maximum(c, 1.0)).T
    for j in range(8):
        out_ref[0, :, j, :] = bev[:, j * GW:(j + 1) * GW]


def _sc_scatter(idx_hbm, tab_hbm, acc_out,
                idx_v, pid_flat, cell_flat, pid_c, cell_c,
                rows_v, zero_buf, acc_sh, sem_z, sem_g, sem_d):
    c = lax.axis_index("c")
    t = lax.axis_index("s")
    tb = t * (SEC // NTILE)
    dump_local = SEC + t
    pad_pid = t * PPT

    def zb_body(i, _):
        for j in range(ROWW // 16):
            zero_buf[i, pl.ds(j * 16, 16)] = jnp.zeros((16,), jnp.float32)
        return 0

    lax.fori_loop(0, 128, zb_body, 0)

    iota16 = lax.iota(jnp.int32, 16)
    pad16 = jnp.full((16,), pad_pid, jnp.int32)
    dump16 = jnp.full((16,), dump_local, jnp.int32)

    for b in range(2):
        pltpu.sync_copy(idx_hbm.at[b, pl.ds(t * PPT, PPT)], idx_v)

        def round_body(r, _):
            s = c * (NSEC // 2) + r
            sec_lo = s * SEC

            def scan_body(i, cnt):
                pfs, ms, pids, locs = [], [], [], []
                for u in range(4):
                    v = idx_v[pl.ds((i * 4 + u) * 16, 16)]
                    m = (v >> SEC_SHIFT) == s
                    locs.append(v & (SEC - 1))
                    pids.append(jnp.full(
                        (16,), b * (NTILE * PPT) + t * PPT + (i * 4 + u) * 16,
                        jnp.int32) + iota16)
                    pfs.append(plsc.cumsum(m.astype(jnp.int32)))
                    ms.append(m)
                for u in range(4):
                    dst = cnt + pfs[u] - 1
                    plsc.store_scatter(pid_flat, [dst], pids[u], mask=ms[u])
                    plsc.store_scatter(cell_flat, [dst], locs[u], mask=ms[u])
                    cnt = cnt + pfs[u][15]
                return cnt

            cnt = lax.fori_loop(0, PPT // 64, scan_body, jnp.int32(0))

            for j in range(K // 16):
                plsc.store_scatter(pid_flat, [cnt + j * 16 + iota16], pad16)
                plsc.store_scatter(cell_flat, [cnt + j * 16 + iota16], dump16)

            @pl.when(b + r > 0)
            def _():
                pltpu.make_async_copy(
                    acc_sh.at[pl.ds(tb, SEC // NTILE)],
                    acc_out.at[b, pl.ds(sec_lo + tb, SEC // NTILE)],
                    sem_d).wait()

            for kk in range(SEC // NTILE // 128):
                pltpu.async_copy(zero_buf, acc_sh.at[pl.ds(tb + kk * 128, 128)],
                                 sem_z)
            for kk in range(SEC // NTILE // 128):
                pltpu.make_async_copy(
                    zero_buf, acc_sh.at[pl.ds(tb + kk * 128, 128)], sem_z).wait()
            plsc.subcore_barrier()

            nchunks = (cnt + (K - 1)) // K

            def chunk_body(ci, _):
                for j in range(K // 16):
                    cell_c[pl.ds(j * 16, 16)] = cell_flat[pl.ds(ci * K + j * 16, 16)]
                pltpu.async_copy(
                    tab_hbm.at[pid_flat.at[pl.ds(ci * K, K)]], rows_v,
                    sem_g).wait()
                pltpu.sync_copy(rows_v, acc_sh.at[cell_c], add=True)
                return 0

            lax.fori_loop(0, nchunks, chunk_body, 0)
            plsc.subcore_barrier()

            pltpu.async_copy(acc_sh.at[pl.ds(tb, SEC // NTILE)],
                             acc_out.at[b, pl.ds(sec_lo + tb, SEC // NTILE)],
                             sem_d)
            return 0

        lax.fori_loop(0, NSEC // 2, round_body, 0)

    pltpu.make_async_copy(
        acc_sh.at[pl.ds(tb, SEC // NTILE)],
        acc_out.at[1, pl.ds((c * (NSEC // 2) + NSEC // 2 - 1) * SEC + tb,
                            SEC // NTILE)],
        sem_d).wait()


def kernel(fv_features, points_img, proj_masks):
    B, C, H, W = fv_features.shape
    N = H * W

    idx = pl.pallas_call(
        _idx_body,
        out_shape=jax.ShapeDtypeStruct((B, H, W), jnp.int32),
        grid=(B,),
        in_specs=[
            pl.BlockSpec((1, 2, H, W), lambda b: (b, 0, 0, 0)),
            pl.BlockSpec((1, H, W), lambda b: (b, 0, 0)),
        ],
        out_specs=pl.BlockSpec((1, H, W), lambda b: (b, 0, 0)),
    )(points_img, proj_masks).reshape(B, N)

    fv = fv_features.reshape(B, C, N)
    TB = 512
    table = pl.pallas_call(
        _table_body,
        out_shape=jax.ShapeDtypeStruct((B * N, ROWW), jnp.float32),
        grid=(B, N // TB),
        in_specs=[pl.BlockSpec((1, C, TB), lambda b, n: (b, 0, n))],
        out_specs=pl.BlockSpec((TB, ROWW),
                               lambda b, n: (b * (N // TB) + n, 0)),
    )(fv)

    mesh = plsc.VectorSubcoreMesh(core_axis_name="c", subcore_axis_name="s")
    acc = pl.kernel(
        _sc_scatter,
        mesh=mesh,
        compiler_params=pltpu.CompilerParams(needs_layout_passes=False),
        out_type=jax.ShapeDtypeStruct((B, NCELL, ROWW), jnp.float32),
        scratch_types=[
            pltpu.VMEM((PPT,), jnp.int32),
            pltpu.VMEM((PPT + K,), jnp.int32),
            pltpu.VMEM((PPT + K,), jnp.int32),
            pltpu.VMEM((K,), jnp.int32),
            pltpu.VMEM((K,), jnp.int32),
            pltpu.VMEM((K, ROWW), jnp.float32),
            pltpu.VMEM((128, ROWW), jnp.float32),
            pltpu.VMEM_SHARED((SEC + NTILE, ROWW), jnp.float32),
            pltpu.SemaphoreType.DMA,
            pltpu.SemaphoreType.DMA,
            pltpu.SemaphoreType.DMA,
        ],
    )(idx, table)

    out = pl.pallas_call(
        _final_body,
        out_shape=jax.ShapeDtypeStruct((B, C, GH, GW), jnp.float32),
        grid=(B, NCELL // 4096),
        in_specs=[pl.BlockSpec((1, 4096, ROWW), lambda b, i: (b, i, 0))],
        out_specs=pl.BlockSpec((1, C, 8, GW), lambda b, i: (b, 0, i, 0)),
    )(acc)
    return out

# --- scband reference (transcript-rebuilt; emitter-appended) ---
"""Pipeline reference for scband-range-to-bev-56444460204608 (READ-ONLY COPY).

The authoritative reference and input builder live on the scoring server;
editing this copy changes nothing except your own understanding.
"""

import jax, jax.numpy as jnp
import numpy as np

X_MIN, Y_MIN = -51.2, -51.2
VX, VY = 0.2, 0.2
H2, W2 = 512, 512


def setup_inputs(seed: int = 0) -> dict:
    key = jax.random.key(seed)
    k1, k2, k3 = jax.random.split(key, 3)
    fv_features = jax.random.normal(k1, (2, 64, 64, 2048), dtype=jnp.float32)
    # scale coordinates so points spread over the BEV range (+/- ~60m)
    points_img = jax.random.normal(k2, (2, 4, 64, 2048), dtype=jnp.float32) * 20.0
    proj_masks = jax.random.randint(k3, (2, 64, 2048), 0, 2).astype(jnp.int32)
    return {"fv_features": fv_features, "points_img": points_img, "proj_masks": proj_masks}


def _project_one(points, features, mask):
    # points: (N,4), features: (N,C), mask: (N,)
    C = features.shape[1]
    xi = jnp.floor((points[:, 0] - X_MIN) / VX).astype(jnp.int32)
    yi = jnp.floor((points[:, 1] - Y_MIN) / VY).astype(jnp.int32)
    valid = (mask > 0) & (xi >= 0) & (xi < W2) & (yi >= 0) & (yi < H2)
    flat = jnp.clip(yi, 0, H2 - 1) * W2 + jnp.clip(xi, 0, W2 - 1)
    # invalid points routed to a dump cell (row H2*W2) that is discarded
    idx = jnp.where(valid, flat, H2 * W2)
    feat = jnp.where(valid[:, None], features, 0.0)
    sums = jnp.zeros((H2 * W2 + 1, C), dtype=features.dtype).at[idx].add(feat)
    cnt = jnp.zeros((H2 * W2 + 1,), dtype=features.dtype).at[idx].add(valid.astype(features.dtype))
    bev = sums[: H2 * W2] / jnp.maximum(cnt[: H2 * W2], 1.0)[:, None]
    return bev.reshape(H2, W2, C).transpose(2, 0, 1)


def reference(fv_features, points_img, proj_masks):
    B, C, H, W = fv_features.shape
    feats = fv_features.transpose(0, 2, 3, 1).reshape(B, H * W, C)
    pts = points_img[:, :4].transpose(0, 2, 3, 1).reshape(B, H * W, 4)
    mask = proj_masks.reshape(B, H * W)
    bev_features_batch = jax.vmap(_project_one)(pts, feats, mask)
    return bev_features_batch


if False:  # reference __main__ guard neutralized (emitter)
    out = reference(**setup_inputs())
    print(out.shape)

if __name__ == "__main__":
    import jax
    _d = setup_inputs()
    print(jax.jit(kernel)(*tuple(_d.values())))

</pallas_src>

<mosaic_0001>
#map = affine_map<(d0, d1) -> (0, 0)>
#map1 = affine_map<(d0, d1) -> (0, 0, 0)>
module attributes {stable_mosaic.version = 14 : i64} {
  func.func @_sc_scatter(%arg0: i32, %arg1: i32, %arg2: memref<2x131072xi32, #tpu.memory_space<hbm>>, %arg3: memref<262144x128xf32, #tpu.memory_space<hbm>>, %arg4: memref<2x262144x128xf32, #tpu.memory_space<hbm>>, %arg5: memref<8192xi32, #tpu.memory_space<vmem>>, %arg6: memref<8320xi32, #tpu.memory_space<vmem>>, %arg7: memref<8320xi32, #tpu.memory_space<vmem>>, %arg8: memref<128xi32, #tpu.memory_space<vmem>>, %arg9: memref<128xi32, #tpu.memory_space<vmem>>, %arg10: memref<128x128xf32, #tpu.memory_space<vmem>>, %arg11: memref<128x128xf32, #tpu.memory_space<vmem>>, %arg12: memref<8208x128xf32, #tpu.memory_space<vmem_shared>>, %arg13: memref<!tpu.dma_semaphore, #tpu.memory_space<semaphore_mem>>, %arg14: memref<!tpu.dma_semaphore, #tpu.memory_space<semaphore_mem>>, %arg15: memref<!tpu.dma_semaphore, #tpu.memory_space<semaphore_mem>>) attributes {dimension_semantics = [#tpu.dimension_semantics<core_parallel>, #tpu.dimension_semantics<subcore_parallel>], iteration_bounds = array<i64: 2, 16>, scalar_prefetch = 0 : i64, scratch_operands = 11 : i64, tpu.core_type = #tpu.core_type<sc_vector_subcore>, window_params = [{transform_indices = #map}, {transform_indices = #map}, {transform_indices = #map1}]} {
    %mul3A = arith.constant 512 : i32
    %mul3A_0 = arith.muli %arg1, %mul3A : i32
    %add3A = arith.constant 8192 : i32
    %add3A_1 = arith.addi %add3A, %arg1 : i32
    %mul3A_2 = arith.constant 8192 : i32
    %mul3A_3 = arith.muli %arg1, %mul3A_2 : i32
    %scan3A = arith.constant 0 : i32
    %scan3A_4 = arith.constant 0 : i32
    %scan3A_5 = arith.constant 128 : i32
    %scan3A_6 = arith.addi %scan3A_4, %scan3A_5 : i32
    %scan3A_7 = arith.constant 1 : i32
    %scan3A_8 = scf.for %scan3A_43 = %scan3A_4 to %scan3A_6 step %scan3A_7 iter_args(%scan3A_44 = %scan3A) -> (i32)  : i32 {
      %broadcast_in_dim3A_45 = arith.constant 0.000000e+00 : f32
      %broadcast_in_dim3A_46 = vector.broadcast %broadcast_in_dim3A_45 : f32 to vector<16xf32>
      %swap3A = arith.index_cast %scan3A_43 : i32 to index
      %swap3A_47 = arith.constant 0 : index
      %swap3A_48 = tpu.vector_load %arg11[%swap3A, %swap3A_47] {strides = array<i32>} : memref<128x128xf32, #tpu.memory_space<vmem>>, vector<16xf32>,
      tpu.vector_store %arg11[%swap3A, %swap3A_47], %broadcast_in_dim3A_46 {strides = array<i32>} : memref<128x128xf32, #tpu.memory_space<vmem>>, vector<16xf32>,
      %broadcast_in_dim3A_49 = arith.constant 0.000000e+00 : f32
      %broadcast_in_dim3A_50 = vector.broadcast %broadcast_in_dim3A_49 : f32 to vector<16xf32>
      %swap3A_51 = arith.index_cast %scan3A_43 : i32 to index
      %swap3A_52 = arith.constant 16 : index
      %swap3A_53 = tpu.vector_load %arg11[%swap3A_51, %swap3A_52] {strides = array<i32>} : memref<128x128xf32, #tpu.memory_space<vmem>>, vector<16xf32>,
      tpu.vector_store %arg11[%swap3A_51, %swap3A_52], %broadcast_in_dim3A_50 {strides = array<i32>} : memref<128x128xf32, #tpu.memory_space<vmem>>, vector<16xf32>,
      %broadcast_in_dim3A_54 = arith.constant 0.000000e+00 : f32
      %broadcast_in_dim3A_55 = vector.broadcast %broadcast_in_dim3A_54 : f32 to vector<16xf32>
      %swap3A_56 = arith.index_cast %scan3A_43 : i32 to index
      %swap3A_57 = arith.constant 32 : index
      %swap3A_58 = tpu.vector_load %arg11[%swap3A_56, %swap3A_57] {strides = array<i32>} : memref<128x128xf32, #tpu.memory_space<vmem>>, vector<16xf32>,
      tpu.vector_store %arg11[%swap3A_56, %swap3A_57], %broadcast_in_dim3A_55 {strides = array<i32>} : memref<128x128xf32, #tpu.memory_space<vmem>>, vector<16xf32>,
      %broadcast_in_dim3A_59 = arith.constant 0.000000e+00 : f32
      %broadcast_in_dim3A_60 = vector.broadcast %broadcast_in_dim3A_59 : f32 to vector<16xf32>
      %swap3A_61 = arith.index_cast %scan3A_43 : i32 to index
      %swap3A_62 = arith.constant 48 : index
      %swap3A_63 = tpu.vector_load %arg11[%swap3A_61, %swap3A_62] {strides = array<i32>} : memref<128x128xf32, #tpu.memory_space<vmem>>, vector<16xf32>,
      tpu.vector_store %arg11[%swap3A_61, %swap3A_62], %broadcast_in_dim3A_60 {strides = array<i32>} : memref<128x128xf32, #tpu.memory_space<vmem>>, vector<16xf32>,
      %broadcast_in_dim3A_64 = arith.constant 0.000000e+00 : f32
      %broadcast_in_dim3A_65 = vector.broadcast %broadcast_in_dim3A_64 : f32 to vector<16xf32>
      %swap3A_66 = arith.index_cast %scan3A_43 : i32 to index
      %swap3A_67 = arith.constant 64 : index
      %swap3A_68 = tpu.vector_load %arg11[%swap3A_66, %swap3A_67] {strides = array<i32>} : memref<128x128xf32, #tpu.memory_space<vmem>>, vector<16xf32>,
      tpu.vector_store %arg11[%swap3A_66, %swap3A_67], %broadcast_in_dim3A_65 {strides = array<i32>} : memref<128x128xf32, #tpu.memory_space<vmem>>, vector<16xf32>,
      %broadcast_in_dim3A_69 = arith.constant 0.000000e+00 : f32
      %broadcast_in_dim3A_70 = vector.broadcast %broadcast_in_dim3A_69 : f32 to vector<16xf32>
      %swap3A_71 = arith.index_cast %scan3A_43 : i32 to index
      %swap3A_72 = arith.constant 80 : index
      %swap3A_73 = tpu.vector_load %arg11[%swap3A_71, %swap3A_72] {strides = array<i32>} : memref<128x128xf32, #tpu.memory_space<vmem>>, vector<16xf32>,
      tpu.vector_store %arg11[%swap3A_71, %swap3A_72], %broadcast_in_dim3A_70 {strides = array<i32>} : memref<128x128xf32, #tpu.memory_space<vmem>>, vector<16xf32>,
      %broadcast_in_dim3A_74 = arith.constant 0.000000e+00 : f32
      %broadcast_in_dim3A_75 = vector.broadcast %broadcast_in_dim3A_74 : f32 to vector<16xf32>
      %swap3A_76 = arith.index_cast %scan3A_43 : i32 to index
      %swap3A_77 = arith.constant 96 : index
      %swap3A_78 = tpu.vector_load %arg11[%swap3A_76, %swap3A_77] {strides = array<i32>} : memref<128x128xf32, #tpu.memory_space<vmem>>, vector<16xf32>,
      tpu.vector_store %arg11[%swap3A_76, %swap3A_77], %broadcast_in_dim3A_75 {strides = array<i32>} : memref<128x128xf32, #tpu.memory_space<vmem>>, vector<16xf32>,
      %broadcast_in_dim3A_79 = arith.constant 0.000000e+00 : f32
      %broadcast_in_dim3A_80 = vector.broadcast %broadcast_in_dim3A_79 : f32 to vector<16xf32>
      %swap3A_81 = arith.index_cast %scan3A_43 : i32 to index
      %swap3A_82 = arith.constant 112 : index
      %swap3A_83 = tpu.vector_load %arg11[%swap3A_81, %swap3A_82] {strides = array<i32>} : memref<128x128xf32, #tpu.memory_space<vmem>>, vector<16xf32>,
      tpu.vector_store %arg11[%swap3A_81, %swap3A_82], %broadcast_in_dim3A_80 {strides = array<i32>} : memref<128x128xf32, #tpu.memory_space<vmem>>, vector<16xf32>,
      %scan3A_84 = arith.constant 0 : i32
      scf.yield %scan3A_84 : i32
    }
    %scan3A_9 = arith.constant 128 : i32
    %iota3A = tpu.iota {dimensions = array<i32: 0>} : vector<16xi32>
    %broadcast_in_dim3A = vector.broadcast %mul3A_3 : i32 to vector<16xi32>
    %broadcast_in_dim3A_10 = vector.broadcast %add3A_1 : i32 to vector<16xi32>
    %mul3A_11 = arith.constant 8192 : i32
    %mul3A_12 = arith.muli %arg1, %mul3A_11 : i32
    %run_scoped3A = arith.constant 0 : i32
    "tpu.region"() ({
      %run_scoped3A_43 = tpu.sem_alloc : memref<!tpu.dma_semaphore, #tpu.memory_space<semaphore_mem>>
      %dma_start3A = tpu.memref_slice %arg2[%run_scoped3A, %mul3A_12] : memref<2x131072xi32, #tpu.memory_space<hbm>> -> memref<1x8192xi32, #tpu.memory_space<hbm>>
      %dma_start3A_44 = tpu.memref_squeeze %dma_start3A : memref<1x8192xi32, #tpu.memory_space<hbm>> -> memref<8192xi32, #tpu.memory_space<hbm>>
      %dma_start3A_45 = tpu.memref_slice %arg2[%run_scoped3A, %mul3A_12] : memref<2x131072xi32, #tpu.memory_space<hbm>> -> memref<1x8192xi32, #tpu.memory_space<hbm>>
      %dma_start3A_46 = tpu.memref_squeeze %dma_start3A_45 : memref<1x8192xi32, #tpu.memory_space<hbm>> -> memref<8192xi32, #tpu.memory_space<hbm>>
      tpu.enqueue_dma source(%dma_start3A_46 : memref<8192xi32, #tpu.memory_space<hbm>>) target(%arg5 : memref<8192xi32, #tpu.memory_space<vmem>>) target_semaphore(%run_scoped3A_43 : memref<!tpu.dma_semaphore, #tpu.memory_space<semaphore_mem>>)
      %dma_wait3A_47 = tpu.memref_slice %arg2[%run_scoped3A, %mul3A_12] : memref<2x131072xi32, #tpu.memory_space<hbm>> -> memref<1x8192xi32, #tpu.memory_space<hbm>>
      %dma_wait3A_48 = tpu.memref_squeeze %dma_wait3A_47 : memref<1x8192xi32, #tpu.memory_space<hbm>> -> memref<8192xi32, #tpu.memory_space<hbm>>
      %dma_wait3A_49 = tpu.memref_slice %arg2[%run_scoped3A, %mul3A_12] : memref<2x131072xi32, #tpu.memory_space<hbm>> -> memref<1x8192xi32, #tpu.memory_space<hbm>>
      %dma_wait3A_50 = tpu.memref_squeeze %dma_wait3A_49 : memref<1x8192xi32, #tpu.memory_space<hbm>> -> memref<8192xi32, #tpu.memory_space<hbm>>
      tpu.wait_dma2 semaphore(%run_scoped3A_43 : memref<!tpu.dma_semaphore, #tpu.memory_space<semaphore_mem>>) src(%dma_wait3A_50 : memref<8192xi32, #tpu.memory_space<hbm>>) dst(%arg5 : memref<8192xi32, #tpu.memory_space<vmem>>)
      tpu.yield
    }) : () -> ()
    %scan3A_13 = arith.constant 0 : i32
    %scan3A_14 = arith.constant 0 : i32
    %scan3A_15 = arith.constant 16 : i32
    %scan3A_16 = arith.addi %scan3A_14, %scan3A_15 : i32
    %scan3A_17 = arith.constant 1 : i32
    %scan3A_18 = scf.for %scan3A_43 = %scan3A_14 to %scan3A_16 step %scan3A_17 iter_args(%scan3A_44 = %scan3A_13) -> (i32)  : i32 {
      %mul3A_45 = arith.constant 16 : i32
      %mul3A_46 = arith.muli %arg0, %mul3A_45 : i32
      %add3A_47 = arith.addi %mul3A_46, %scan3A_43 : i32
      %mul3A_48 = arith.constant 8192 : i32
      %mul3A_49 = arith.muli %add3A_47, %mul3A_48 : i32
      %scan3A_50 = arith.constant 0 : i32
      %scan3A_51 = arith.constant 0 : i32
      %scan3A_52 = arith.constant 128 : i32
      %scan3A_53 = arith.addi %scan3A_51, %scan3A_52 : i32
      %scan3A_54 = arith.constant 1 : i32
      %scan3A_55 = scf.for %scan3A_211 = %scan3A_51 to %scan3A_53 step %scan3A_54 iter_args(%scan3A_212 = %scan3A_50) -> (i32)  : i32 {
        %mul3A_213 = arith.constant 4 : i32
        %mul3A_214 = arith.muli %scan3A_211, %mul3A_213 : i32
        %add3A_215 = arith.constant 0 : i32
        %add3A_216 = arith.addi %mul3A_214, %add3A_215 : i32
        %mul3A_217 = arith.constant 16 : i32
        %mul3A_218 = arith.muli %add3A_216, %mul3A_217 : i32
        %get3A = arith.index_cast %mul3A_218 : i32 to index
        %get3A_219 = tpu.vector_load %arg5[%get3A] {strides = array<i32>} : memref<8192xi32, #tpu.memory_space<vmem>>, vector<16xi32>,
        %shift_right_arithmetic3A = arith.constant 13 : i32
        %shift_right_arithmetic3A_220 = vector.broadcast %shift_right_arithmetic3A : i32 to vector<16xi32>
        %shift_right_arithmetic3A_221 = arith.shrsi %get3A_219, %shift_right_arithmetic3A_220 : vector<16xi32>
        %eq3A = vector.broadcast %add3A_47 : i32 to vector<16xi32>
        %eq3A_222 = arith.cmpi eq, %shift_right_arithmetic3A_221, %eq3A : vector<16xi32>
        %and3A_223 = arith.constant 8191 : i32
        %and3A_224 = vector.broadcast %and3A_223 : i32 to vector<16xi32>
        %and3A_225 = arith.andi %get3A_219, %and3A_224 : vector<16xi32>
        %mul3A_226 = arith.constant 8192 : i32
        %mul3A_227 = arith.muli %arg1, %mul3A_226 : i32
        %add3A_228 = arith.constant 0 : i32
        %add3A_229 = arith.addi %add3A_228, %mul3A_227 : i32
        %mul3A_230 = arith.constant 4 : i32
        %mul3A_231 = arith.muli %scan3A_211, %mul3A_230 : i32
        %add3A_232 = arith.constant 0 : i32
        %add3A_233 = arith.addi %mul3A_231, %add3A_232 : i32
        %mul3A_234 = arith.constant 16 : i32
        %mul3A_235 = arith.muli %add3A_233, %mul3A_234 : i32
        %add3A_236 = arith.addi %add3A_229, %mul3A_235 : i32
        %broadcast_in_dim3A_237 = vector.broadcast %add3A_236 : i32 to vector<16xi32>
        %add3A_238 = arith.addi %broadcast_in_dim3A_237, %iota3A : vector<16xi32>
        %convert_element_type3A_239 = arith.extui %eq3A_222 : vector<16xi1> to vector<16xi32>
        %broadcast_in_dim3A_240 = arith.constant true
        %broadcast_in_dim3A_241 = vector.broadcast %broadcast_in_dim3A_240 : i1 to vector<16xi1>
        %masked_cumsum3A = tpu.scan <sum>, %convert_element_type3A_239 masked %broadcast_in_dim3A_241 : vector<16xi32>, vector<16xi1> -> vector<16xi32>
        %mul3A_242 = arith.constant 4 : i32
        %mul3A_243 = arith.muli %scan3A_211, %mul3A_242 : i32
        %add3A_244 = arith.constant 1 : i32
        %add3A_245 = arith.addi %mul3A_243, %add3A_244 : i32
        %mul3A_246 = arith.constant 16 : i32
        %mul3A_247 = arith.muli %add3A_245, %mul3A_246 : i32
        %get3A_248 = arith.index_cast %mul3A_247 : i32 to index
        %get3A_249 = tpu.vector_load %arg5[%get3A_248] {strides = array<i32>} : memref<8192xi32, #tpu.memory_space<vmem>>, vector<16xi32>,
        %shift_right_arithmetic3A_250 = arith.constant 13 : i32
        %shift_right_arithmetic3A_251 = vector.broadcast %shift_right_arithmetic3A_250 : i32 to vector<16xi32>
        %shift_right_arithmetic3A_252 = arith.shrsi %get3A_249, %shift_right_arithmetic3A_251 : vector<16xi32>
        %eq3A_253 = vector.broadcast %add3A_47 : i32 to vector<16xi32>
        %eq3A_254 = arith.cmpi eq, %shift_right_arithmetic3A_252, %eq3A_253 : vector<16xi32>
        %and3A_255 = arith.constant 8191 : i32
        %and3A_256 = vector.broadcast %and3A_255 : i32 to vector<16xi32>
        %and3A_257 = arith.andi %get3A_249, %and3A_256 : vector<16xi32>
        %mul3A_258 = arith.constant 8192 : i32
        %mul3A_259 = arith.muli %arg1, %mul3A_258 : i32
        %add3A_260 = arith.constant 0 : i32
        %add3A_261 = arith.addi %add3A_260, %mul3A_259 : i32
        %mul3A_262 = arith.constant 4 : i32
        %mul3A_263 = arith.muli %scan3A_211, %mul3A_262 : i32
        %add3A_264 = arith.constant 1 : i32
        %add3A_265 = arith.addi %mul3A_263, %add3A_264 : i32
        %mul3A_266 = arith.constant 16 : i32
        %mul3A_267 = arith.muli %add3A_265, %mul3A_266 : i32
        %add3A_268 = arith.addi %add3A_261, %mul3A_267 : i32
        %broadcast_in_dim3A_269 = vector.broadcast %add3A_268 : i32 to vector<16xi32>
        %add3A_270 = arith.addi %broadcast_in_dim3A_269, %iota3A : vector<16xi32>
        %convert_element_type3A_271 = arith.extui %eq3A_254 : vector<16xi1> to vector<16xi32>
        %broadcast_in_dim3A_272 = arith.constant true
        %broadcast_in_dim3A_273 = vector.broadcast %broadcast_in_dim3A_272 : i1 to vector<16xi1>
        %masked_cumsum3A_274 = tpu.scan <sum>, %convert_element_type3A_271 masked %broadcast_in_dim3A_273 : vector<16xi32>, vector<16xi1> -> vector<16xi32>
        %mul3A_275 = arith.constant 4 : i32
        %mul3A_276 = arith.muli %scan3A_211, %mul3A_275 : i32
        %add3A_277 = arith.constant 2 : i32
        %add3A_278 = arith.addi %mul3A_276, %add3A_277 : i32
        %mul3A_279 = arith.constant 16 : i32
        %mul3A_280 = arith.muli %add3A_278, %mul3A_279 : i32
        %get3A_281 = arith.index_cast %mul3A_280 : i32 to index
        %get3A_282 = tpu.vector_load %arg5[%get3A_281] {strides = array<i32>} : memref<8192xi32, #tpu.memory_space<vmem>>, vector<16xi32>,
        %shift_right_arithmetic3A_283 = arith.constant 13 : i32
        %shift_right_arithmetic3A_284 = vector.broadcast %shift_right_arithmetic3A_283 : i32 to vector<16xi32>
        %shift_right_arithmetic3A_285 = arith.shrsi %get3A_282, %shift_right_arithmetic3A_284 : vector<16xi32>
        %eq3A_286 = vector.broadcast %add3A_47 : i32 to vector<16xi32>
        %eq3A_287 = arith.cmpi eq, %shift_right_arithmetic3A_285, %eq3A_286 : vector<16xi32>
        %and3A_288 = arith.constant 8191 : i32
        %and3A_289 = vector.broadcast %and3A_288 : i32 to vector<16xi32>
        %and3A_290 = arith.andi %get3A_282, %and3A_289 : vector<16xi32>
        %mul3A_291 = arith.constant 8192 : i32
        %mul3A_292 = arith.muli %arg1, %mul3A_291 : i32
        %add3A_293 = arith.constant 0 : i32
        %add3A_294 = arith.addi %add3A_293, %mul3A_292 : i32
        %mul3A_295 = arith.constant 4 : i32
        %mul3A_296 = arith.muli %scan3A_211, %mul3A_295 : i32
        %add3A_297 = arith.constant 2 : i32
        %add3A_298 = arith.addi %mul3A_296, %add3A_297 : i32
        %mul3A_299 = arith.constant 16 : i32
        %mul3A_300 = arith.muli %add3A_298, %mul3A_299 : i32
        %add3A_301 = arith.addi %add3A_294, %mul3A_300 : i32
        %broadcast_in_dim3A_302 = vector.broadcast %add3A_301 : i32 to vector<16xi32>
        %add3A_303 = arith.addi %broadcast_in_dim3A_302, %iota3A : vector<16xi32>
        %convert_element_type3A_304 = arith.extui %eq3A_287 : vector<16xi1> to vector<16xi32>
        %broadcast_in_dim3A_305 = arith.constant true
        %broadcast_in_dim3A_306 = vector.broadcast %broadcast_in_dim3A_305 : i1 to vector<16xi1>
        %masked_cumsum3A_307 = tpu.scan <sum>, %convert_element_type3A_304 masked %broadcast_in_dim3A_306 : vector<16xi32>, vector<16xi1> -> vector<16xi32>
        %mul3A_308 = arith.constant 4 : i32
        %mul3A_309 = arith.muli %scan3A_211, %mul3A_308 : i32
        %add3A_310 = arith.constant 3 : i32
        %add3A_311 = arith.addi %mul3A_309, %add3A_310 : i32
        %mul3A_312 = arith.constant 16 : i32
        %mul3A_313 = arith.muli %add3A_311, %mul3A_312 : i32
        %get3A_314 = arith.index_cast %mul3A_313 : i32 to index
        %get3A_315 = tpu.vector_load %arg5[%get3A_314] {strides = array<i32>} : memref<8192xi32, #tpu.memory_space<vmem>>, vector<16xi32>,
        %shift_right_arithmetic3A_316 = arith.constant 13 : i32
        %shift_right_arithmetic3A_317 = vector.broadcast %shift_right_arithmetic3A_316 : i32 to vector<16xi32>
        %shift_right_arithmetic3A_318 = arith.shrsi %get3A_315, %shift_right_arithmetic3A_317 : vector<16xi32>
        %eq3A_319 = vector.broadcast %add3A_47 : i32 to vector<16xi32>
        %eq3A_320 = arith.cmpi eq, %shift_right_arithmetic3A_318, %eq3A_319 : vector<16xi32>
        %and3A_321 = arith.constant 8191 : i32
        %and3A_322 = vector.broadcast %and3A_321 : i32 to vector<16xi32>
        %and3A_323 = arith.andi %get3A_315, %and3A_322 : vector<16xi32>
        %mul3A_324 = arith.constant 8192 : i32
        %mul3A_325 = arith.muli %arg1, %mul3A_324 : i32
        %add3A_326 = arith.constant 0 : i32
        %add3A_327 = arith.addi %add3A_326, %mul3A_325 : i32
        %mul3A_328 = arith.constant 4 : i32
        %mul3A_329 = arith.muli %scan3A_211, %mul3A_328 : i32
        %add3A_330 = arith.constant 3 : i32
        %add3A_331 = arith.addi %mul3A_329, %add3A_330 : i32
        %mul3A_332 = arith.constant 16 : i32
        %mul3A_333 = arith.muli %add3A_331, %mul3A_332 : i32
        %add3A_334 = arith.addi %add3A_327, %mul3A_333 : i32
        %broadcast_in_dim3A_335 = vector.broadcast %add3A_334 : i32 to vector<16xi32>
        %add3A_336 = arith.addi %broadcast_in_dim3A_335, %iota3A : vector<16xi32>
        %convert_element_type3A_337 = arith.extui %eq3A_320 : vector<16xi1> to vector<16xi32>
        %broadcast_in_dim3A_338 = arith.constant true
        %broadcast_in_dim3A_339 = vector.broadcast %broadcast_in_dim3A_338 : i1 to vector<16xi1>
        %masked_cumsum3A_340 = tpu.scan <sum>, %convert_element_type3A_337 masked %broadcast_in_dim3A_339 : vector<16xi32>, vector<16xi1> -> vector<16xi32>
        %add3A_341 = vector.broadcast %scan3A_212 : i32 to vector<16xi32>
        %add3A_342 = arith.addi %add3A_341, %masked_cumsum3A : vector<16xi32>
        %sub3A_343 = arith.constant 1 : i32
        %sub3A_344 = vector.broadcast %sub3A_343 : i32 to vector<16xi32>
        %sub3A_345 = arith.subi %add3A_342, %sub3A_344 : vector<16xi32>
        tpu.vector_store_idx %arg6[%sub3A_345], %add3A_238 masked %eq3A_222 : memref<8320xi32, #tpu.memory_space<vmem>>[vector<16xi32>], vector<16xi32>, vector<16xi1>
        tpu.vector_store_idx %arg7[%sub3A_345], %and3A_225 masked %eq3A_222 : memref<8320xi32, #tpu.memory_space<vmem>>[vector<16xi32>], vector<16xi32>, vector<16xi1>
        %slice3A = vector.extract_strided_slice %masked_cumsum3A {offsets = [15], sizes = [1], strides = [1]} : vector<16xi32> to vector<1xi32>
        %squeeze3A = vector.extract %slice3A[0] : i32 from vector<1xi32>
        %add3A_346 = arith.addi %scan3A_212, %squeeze3A : i32
        %add3A_347 = vector.broadcast %add3A_346 : i32 to vector<16xi32>
        %add3A_348 = arith.addi %add3A_347, %masked_cumsum3A_274 : vector<16xi32>
        %sub3A_349 = arith.constant 1 : i32
        %sub3A_350 = vector.broadcast %sub3A_349 : i32 to vector<16xi32>
        %sub3A_351 = arith.subi %add3A_348, %sub3A_350 : vector<16xi32>
        tpu.vector_store_idx %arg6[%sub3A_351], %add3A_270 masked %eq3A_254 : memref<8320xi32, #tpu.memory_space<vmem>>[vector<16xi32>], vector<16xi32>, vector<16xi1>
        tpu.vector_store_idx %arg7[%sub3A_351], %and3A_257 masked %eq3A_254 : memref<8320xi32, #tpu.memory_space<vmem>>[vector<16xi32>], vector<16xi32>, vector<16xi1>
        %slice3A_352 = vector.extract_strided_slice %masked_cumsum3A_274 {offsets = [15], sizes = [1], strides = [1]} : vector<16xi32> to vector<1xi32>
        %squeeze3A_353 = vector.extract %slice3A_352[0] : i32 from vector<1xi32>
        %add3A_354 = arith.addi %add3A_346, %squeeze3A_353 : i32
        %add3A_355 = vector.broadcast %add3A_354 : i32 to vector<16xi32>
        %add3A_356 = arith.addi %add3A_355, %masked_cumsum3A_307 : vector<16xi32>
        %sub3A_357 = arith.constant 1 : i32
        %sub3A_358 = vector.broadcast %sub3A_357 : i32 to vector<16xi32>
        %sub3A_359 = arith.subi %add3A_356, %sub3A_358 : vector<16xi32>
        tpu.vector_store_idx %arg6[%sub3A_359], %add3A_303 masked %eq3A_287 : memref<8320xi32, #tpu.memory_space<vmem>>[vector<16xi32>], vector<16xi32>, vector<16xi1>
        tpu.vector_store_idx %arg7[%sub3A_359], %and3A_290 masked %eq3A_287 : memref<8320xi32, #tpu.memory_space<vmem>>[vector<16xi32>], vector<16xi32>, vector<16xi1>
        %slice3A_360 = vector.extract_strided_slice %masked_cumsum3A_307 {offsets = [15], sizes = [1], strides = [1]} : vector<16xi32> to vector<1xi32>
        %squeeze3A_361 = vector.extract %slice3A_360[0] : i32 from vector<1xi32>
        %add3A_362 = arith.addi %add3A_354, %squeeze3A_361 : i32
        %add3A_363 = vector.broadcast %add3A_362 : i32 to vector<16xi32>
        %add3A_364 = arith.addi %add3A_363, %masked_cumsum3A_340 : vector<16xi32>
        %sub3A_365 = arith.constant 1 : i32
        %sub3A_366 = vector.broadcast %sub3A_365 : i32 to vector<16xi32>
        %sub3A_367 = arith.subi %add3A_364, %sub3A_366 : vector<16xi32>
        tpu.vector_store_idx %arg6[%sub3A_367], %add3A_336 masked %eq3A_320 : memref<8320xi32, #tpu.memory_space<vmem>>[vector<16xi32>], vector<16xi32>, vector<16xi1>
        tpu.vector_store_idx %arg7[%sub3A_367], %and3A_323 masked %eq3A_320 : memref<8320xi32, #tpu.memory_space<vmem>>[vector<16xi32>], vector<16xi32>, vector<16xi1>
        %slice3A_368 = vector.extract_strided_slice %masked_cumsum3A_340 {offsets = [15], sizes = [1], strides = [1]} : vector<16xi32> to vector<1xi32>
        %squeeze3A_369 = vector.extract %slice3A_368[0] : i32 from vector<1xi32>
        %add3A_370 = arith.addi %add3A_362, %squeeze3A_369 : i32
        scf.yield %add3A_370 : i32
      }
      %scan3A_56 = arith.constant 128 : i32
      %add3A_57 = arith.constant 0 : i32
      %add3A_58 = arith.addi %scan3A_55, %add3A_57 : i32
      %add3A_59 = vector.broadcast %add3A_58 : i32 to vector<16xi32>
      %add3A_60 = arith.addi %add3A_59, %iota3A : vector<16xi32>
      tpu.vector_store_idx %arg6[%add3A_60], %broadcast_in_dim3A : memref<8320xi32, #tpu.memory_space<vmem>>[vector<16xi32>], vector<16xi32>,
      %add3A_61 = arith.constant 0 : i32
      %add3A_62 = arith.addi %scan3A_55, %add3A_61 : i32
      %add3A_63 = vector.broadcast %add3A_62 : i32 to vector<16xi32>
      %add3A_64 = arith.addi %add3A_63, %iota3A : vector<16xi32>
      tpu.vector_store_idx %arg7[%add3A_64], %broadcast_in_dim3A_10 : memref<8320xi32, #tpu.memory_space<vmem>>[vector<16xi32>], vector<16xi32>,
      %add3A_65 = arith.constant 16 : i32
      %add3A_66 = arith.addi %scan3A_55, %add3A_65 : i32
      %add3A_67 = vector.broadcast %add3A_66 : i32 to vector<16xi32>
      %add3A_68 = arith.addi %add3A_67, %iota3A : vector<16xi32>
      tpu.vector_store_idx %arg6[%add3A_68], %broadcast_in_dim3A : memref<8320xi32, #tpu.memory_space<vmem>>[vector<16xi32>], vector<16xi32>,
      %add3A_69 = arith.constant 16 : i32
      %add3A_70 = arith.addi %scan3A_55, %add3A_69 : i32
      %add3A_71 = vector.broadcast %add3A_70 : i32 to vector<16xi32>
      %add3A_72 = arith.addi %add3A_71, %iota3A : vector<16xi32>
      tpu.vector_store_idx %arg7[%add3A_72], %broadcast_in_dim3A_10 : memref<8320xi32, #tpu.memory_space<vmem>>[vector<16xi32>], vector<16xi32>,
      %add3A_73 = arith.constant 32 : i32
      %add3A_74 = arith.addi %scan3A_55, %add3A_73 : i32
      %add3A_75 = vector.broadcast %add3A_74 : i32 to vector<16xi32>
      %add3A_76 = arith.addi %add3A_75, %iota3A : vector<16xi32>
      tpu.vector_store_idx %arg6[%add3A_76], %broadcast_in_dim3A : memref<8320xi32, #tpu.memory_space<vmem>>[vector<16xi32>], vector<16xi32>,
      %add3A_77 = arith.constant 32 : i32
      %add3A_78 = arith.addi %scan3A_55, %add3A_77 : i32
      %add3A_79 = vector.broadcast %add3A_78 : i32 to vector<16xi32>
      %add3A_80 = arith.addi %add3A_79, %iota3A : vector<16xi32>
      tpu.vector_store_idx %arg7[%add3A_80], %broadcast_in_dim3A_10 : memref<8320xi32, #tpu.memory_space<vmem>>[vector<16xi32>], vector<16xi32>,
      %add3A_81 = arith.constant 48 : i32
      %add3A_82 = arith.addi %scan3A_55, %add3A_81 : i32
      %add3A_83 = vector.broadcast %add3A_82 : i32 to vector<16xi32>
      %add3A_84 = arith.addi %add3A_83, %iota3A : vector<16xi32>
      tpu.vector_store_idx %arg6[%add3A_84], %broadcast_in_dim3A : memref<8320xi32, #tpu.memory_space<vmem>>[vector<16xi32>], vector<16xi32>,
      %add3A_85 = arith.constant 48 : i32
      %add3A_86 = arith.addi %scan3A_55, %add3A_85 : i32
      %add3A_87 = vector.broadcast %add3A_86 : i32 to vector<16xi32>
      %add3A_88 = arith.addi %add3A_87, %iota3A : vector<16xi32>
      tpu.vector_store_idx %arg7[%add3A_88], %broadcast_in_dim3A_10 : memref<8320xi32, #tpu.memory_space<vmem>>[vector<16xi32>], vector<16xi32>,
      %add3A_89 = arith.constant 64 : i32
      %add3A_90 = arith.addi %scan3A_55, %add3A_89 : i32
      %add3A_91 = vector.broadcast %add3A_90 : i32 to vector<16xi32>
      %add3A_92 = arith.addi %add3A_91, %iota3A : vector<16xi32>
      tpu.vector_store_idx %arg6[%add3A_92], %broadcast_in_dim3A : memref<8320xi32, #tpu.memory_space<vmem>>[vector<16xi32>], vector<16xi32>,
      %add3A_93 = arith.constant 64 : i32
      %add3A_94 = arith.addi %scan3A_55, %add3A_93 : i32
      %add3A_95 = vector.broadcast %add3A_94 : i32 to vector<16xi32>
      %add3A_96 = arith.addi %add3A_95, %iota3A : vector<16xi32>
      tpu.vector_store_idx %arg7[%add3A_96], %broadcast_in_dim3A_10 : memref<8320xi32, #tpu.memory_space<vmem>>[vector<16xi32>], vector<16xi32>,
      %add3A_97 = arith.constant 80 : i32
      %add3A_98 = arith.addi %scan3A_55, %add3A_97 : i32
      %add3A_99 = vector.broadcast %add3A_98 : i32 to vector<16xi32>
      %add3A_100 = arith.addi %add3A_99, %iota3A : vector<16xi32>
      tpu.vector_store_idx %arg6[%add3A_100], %broadcast_in_dim3A : memref<8320xi32, #tpu.memory_space<vmem>>[vector<16xi32>], vector<16xi32>,
      %add3A_101 = arith.constant 80 : i32
      %add3A_102 = arith.addi %scan3A_55, %add3A_101 : i32
      %add3A_103 = vector.broadcast %add3A_102 : i32 to vector<16xi32>
      %add3A_104 = arith.addi %add3A_103, %iota3A : vector<16xi32>
      tpu.vector_store_idx %arg7[%add3A_104], %broadcast_in_dim3A_10 : memref<8320xi32, #tpu.memory_space<vmem>>[vector<16xi32>], vector<16xi32>,
      %add3A_105 = arith.constant 96 : i32
      %add3A_106 = arith.addi %scan3A_55, %add3A_105 : i32
      %add3A_107 = vector.broadcast %add3A_106 : i32 to vector<16xi32>
      %add3A_108 = arith.addi %add3A_107, %iota3A : vector<16xi32>
      tpu.vector_store_idx %arg6[%add3A_108], %broadcast_in_dim3A : memref<8320xi32, #tpu.memory_space<vmem>>[vector<16xi32>], vector<16xi32>,
      %add3A_109 = arith.constant 96 : i32
      %add3A_110 = arith.addi %scan3A_55, %add3A_109 : i32
      %add3A_111 = vector.broadcast %add3A_110 : i32 to vector<16xi32>
      %add3A_112 = arith.addi %add3A_111, %iota3A : vector<16xi32>
      tpu.vector_store_idx %arg7[%add3A_112], %broadcast_in_dim3A_10 : memref<8320xi32, #tpu.memory_space<vmem>>[vector<16xi32>], vector<16xi32>,
      %add3A_113 = arith.constant 112 : i32
      %add3A_114 = arith.addi %scan3A_55, %add3A_113 : i32
      %add3A_115 = vector.broadcast %add3A_114 : i32 to vector<16xi32>
      %add3A_116 = arith.addi %add3A_115, %iota3A : vector<16xi32>
      tpu.vector_store_idx %arg6[%add3A_116], %broadcast_in_dim3A : memref<8320xi32, #tpu.memory_space<vmem>>[vector<16xi32>], vector<16xi32>,
      %add3A_117 = arith.constant 112 : i32
      %add3A_118 = arith.addi %scan3A_55, %add3A_117 : i32
      %add3A_119 = vector.broadcast %add3A_118 : i32 to vector<16xi32>
      %add3A_120 = arith.addi %add3A_119, %iota3A : vector<16xi32>
      tpu.vector_store_idx %arg7[%add3A_120], %broadcast_in_dim3A_10 : memref<8320xi32, #tpu.memory_space<vmem>>[vector<16xi32>], vector<16xi32>,
      %add3A_121 = arith.constant 0 : i32
      %add3A_122 = arith.addi %add3A_121, %scan3A_43 : i32
      %gt3A = arith.constant 0 : i32
      %gt3A_123 = arith.cmpi sgt, %add3A_122, %gt3A : i32
      %convert_element_type3A = arith.extui %gt3A_123 : i1 to i32
      %cond3A = arith.constant 0 : i32
      %cond3A_124 = arith.cmpi ne, %convert_element_type3A, %cond3A : i32
      scf.if %cond3A_124 {
        %add3A_211 = arith.addi %mul3A_49, %mul3A_0 : i32
        %dma_wait3A_212 = arith.constant 0 : i32
        %dma_wait3A_213 = arith.constant 0 : i32
        %dma_wait3A_214 = tpu.memref_slice %arg4[%dma_wait3A_212, %add3A_211, %dma_wait3A_213] : memref<2x262144x128xf32, #tpu.memory_space<hbm>> -> memref<1x512x128xf32, #tpu.memory_space<hbm>>
        %dma_wait3A_215 = tpu.memref_squeeze %dma_wait3A_214 : memref<1x512x128xf32, #tpu.memory_space<hbm>> -> memref<512x128xf32, #tpu.memory_space<hbm>>
        %dma_wait3A_216 = arith.constant 0 : i32
        %dma_wait3A_217 = tpu.memref_slice %arg12[%mul3A_0, %dma_wait3A_216] : memref<8208x128xf32, #tpu.memory_space<vmem_shared>> -> memref<512x128xf32, #tpu.memory_space<vmem_shared>>
        tpu.wait_dma2 semaphore(%arg15 : memref<!tpu.dma_semaphore, #tpu.memory_space<semaphore_mem>>) src(%dma_wait3A_217 : memref<512x128xf32, #tpu.memory_space<vmem_shared>>) dst(%dma_wait3A_215 : memref<512x128xf32, #tpu.memory_space<hbm>>)
      } else {
      }
      %add3A_125 = arith.constant 0 : i32
      %add3A_126 = arith.addi %mul3A_0, %add3A_125 : i32
      %dma_start3A = arith.constant 0 : i32
      %dma_start3A_127 = tpu.memref_slice %arg12[%add3A_126, %dma_start3A] : memref<8208x128xf32, #tpu.memory_space<vmem_shared>> -> memref<128x128xf32, #tpu.memory_space<vmem_shared>>
      %dma_start3A_128 = arith.constant 0 : i32
      %dma_start3A_129 = tpu.memref_slice %arg12[%add3A_126, %dma_start3A_128] : memref<8208x128xf32, #tpu.memory_space<vmem_shared>> -> memref<128x128xf32, #tpu.memory_space<vmem_shared>>
      tpu.enqueue_dma source(%arg11 : memref<128x128xf32, #tpu.memory_space<vmem>>) target(%dma_start3A_129 : memref<128x128xf32, #tpu.memory_space<vmem_shared>>) target_semaphore(%arg13 : memref<!tpu.dma_semaphore, #tpu.memory_space<semaphore_mem>>)
      %add3A_130 = arith.constant 128 : i32
      %add3A_131 = arith.addi %mul3A_0, %add3A_130 : i32
      %dma_start3A_132 = arith.constant 0 : i32
      %dma_start3A_133 = tpu.memref_slice %arg12[%add3A_131, %dma_start3A_132] : memref<8208x128xf32, #tpu.memory_space<vmem_shared>> -> memref<128x128xf32, #tpu.memory_space<vmem_shared>>
      %dma_start3A_134 = arith.constant 0 : i32
      %dma_start3A_135 = tpu.memref_slice %arg12[%add3A_131, %dma_start3A_134] : memref<8208x128xf32, #tpu.memory_space<vmem_shared>> -> memref<128x128xf32, #tpu.memory_space<vmem_shared>>
      tpu.enqueue_dma source(%arg11 : memref<128x128xf32, #tpu.memory_space<vmem>>) target(%dma_start3A_135 : memref<128x128xf32, #tpu.memory_space<vmem_shared>>) target_semaphore(%arg13 : memref<!tpu.dma_semaphore, #tpu.memory_space<semaphore_mem>>)
      %add3A_136 = arith.constant 256 : i32
      %add3A_137 = arith.addi %mul3A_0, %add3A_136 : i32
      %dma_start3A_138 = arith.constant 0 : i32
      %dma_start3A_139 = tpu.memref_slice %arg12[%add3A_137, %dma_start3A_138] : memref<8208x128xf32, #tpu.memory_space<vmem_shared>> -> memref<128x128xf32, #tpu.memory_space<vmem_shared>>
      %dma_start3A_140 = arith.constant 0 : i32
      %dma_start3A_141 = tpu.memref_slice %arg12[%add3A_137, %dma_start3A_140] : memref<8208x128xf32, #tpu.memory_space<vmem_shared>> -> memref<128x128xf32, #tpu.memory_space<vmem_shared>>
      tpu.enqueue_dma source(%arg11 : memref<128x128xf32, #tpu.memory_space<vmem>>) target(%dma_start3A_141 : memref<128x128xf32, #tpu.memory_space<vmem_shared>>) target_semaphore(%arg13 : memref<!tpu.dma_semaphore, #tpu.memory_space<semaphore_mem>>)
      %add3A_142 = arith.constant 384 : i32
      %add3A_143 = arith.addi %mul3A_0, %add3A_142 : i32
      %dma_start3A_144 = arith.constant 0 : i32
      %dma_start3A_145 = tpu.memref_slice %arg12[%add3A_143, %dma_start3A_144] : memref<8208x128xf32, #tpu.memory_space<vmem_shared>> -> memref<128x128xf32, #tpu.memory_space<vmem_shared>>
      %dma_start3A_146 = arith.constant 0 : i32
      %dma_start3A_147 = tpu.memref_slice %arg12[%add3A_143, %dma_start3A_146] : memref<8208x128xf32, #tpu.memory_space<vmem_shared>> -> memref<128x128xf32, #tpu.memory_space<vmem_shared>>
      tpu.enqueue_dma source(%arg11 : memref<128x128xf32, #tpu.memory_space<vmem>>) target(%dma_start3A_147 : memref<128x128xf32, #tpu.memory_space<vmem_shared>>) target_semaphore(%arg13 : memref<!tpu.dma_semaphore, #tpu.memory_space<semaphore_mem>>)
      %add3A_148 = arith.constant 0 : i32
      %add3A_149 = arith.addi %mul3A_0, %add3A_148 : i32
      %dma_wait3A_150 = arith.constant 0 : i32
      %dma_wait3A_151 = tpu.memref_slice %arg12[%add3A_149, %dma_wait3A_150] : memref<8208x128xf32, #tpu.memory_space<vmem_shared>> -> memref<128x128xf32, #tpu.memory_space<vmem_shared>>
      %dma_wait3A_152 = arith.constant 0 : i32
      %dma_wait3A_153 = tpu.memref_slice %arg12[%add3A_149, %dma_wait3A_152] : memref<8208x128xf32, #tpu.memory_space<vmem_shared>> -> memref<128x128xf32, #tpu.memory_space<vmem_shared>>
      tpu.wait_dma2 semaphore(%arg13 : memref<!tpu.dma_semaphore, #tpu.memory_space<semaphore_mem>>) src(%arg11 : memref<128x128xf32, #tpu.memory_space<vmem>>) dst(%dma_wait3A_153 : memref<128x128xf32, #tpu.memory_space<vmem_shared>>)
      %add3A_154 = arith.constant 128 : i32
      %add3A_155 = arith.addi %mul3A_0, %add3A_154 : i32
      %dma_wait3A_156 = arith.constant 0 : i32
      %dma_wait3A_157 = tpu.memref_slice %arg12[%add3A_155, %dma_wait3A_156] : memref<8208x128xf32, #tpu.memory_space<vmem_shared>> -> memref<128x128xf32, #tpu.memory_space<vmem_shared>>
      %dma_wait3A_158 = arith.constant 0 : i32
      %dma_wait3A_159 = tpu.memref_slice %arg12[%add3A_155, %dma_wait3A_158] : memref<8208x128xf32, #tpu.memory_space<vmem_shared>> -> memref<128x128xf32, #tpu.memory_space<vmem_shared>>
      tpu.wait_dma2 semaphore(%arg13 : memref<!tpu.dma_semaphore, #tpu.memory_space<semaphore_mem>>) src(%arg11 : memref<128x128xf32, #tpu.memory_space<vmem>>) dst(%dma_wait3A_159 : memref<128x128xf32, #tpu.memory_space<vmem_shared>>)
      %add3A_160 = arith.constant 256 : i32
      %add3A_161 = arith.addi %mul3A_0, %add3A_160 : i32
      %dma_wait3A_162 = arith.constant 0 : i32
      %dma_wait3A_163 = tpu.memref_slice %arg12[%add3A_161, %dma_wait3A_162] : memref<8208x128xf32, #tpu.memory_space<vmem_shared>> -> memref<128x128xf32, #tpu.memory_space<vmem_shared>>
      %dma_wait3A_164 = arith.constant 0 : i32
      %dma_wait3A_165 = tpu.memref_slice %arg12[%add3A_161, %dma_wait3A_164] : memref<8208x128xf32, #tpu.memory_space<vmem_shared>> -> memref<128x128xf32, #tpu.memory_space<vmem_shared>>
      tpu.wait_dma2 semaphore(%arg13 : memref<!tpu.dma_semaphore, #tpu.memory_space<semaphore_mem>>) src(%arg11 : memref<128x128xf32, #tpu.memory_space<vmem>>) dst(%dma_wait3A_165 : memref<128x128xf32, #tpu.memory_space<vmem_shared>>)
      %add3A_166 = arith.constant 384 : i32
      %add3A_167 = arith.addi %mul3A_0, %add3A_166 : i32
      %dma_wait3A_168 = arith.constant 0 : i32
      %dma_wait3A_169 = tpu.memref_slice %arg12[%add3A_167, %dma_wait3A_168] : memref<8208x128xf32, #tpu.memory_space<vmem_shared>> -> memref<128x128xf32, #tpu.memory_space<vmem_shared>>
      %dma_wait3A_170 = arith.constant 0 : i32
      %dma_wait3A_171 = tpu.memref_slice %arg12[%add3A_167, %dma_wait3A_170] : memref<8208x128xf32, #tpu.memory_space<vmem_shared>> -> memref<128x128xf32, #tpu.memory_space<vmem_shared>>
      tpu.wait_dma2 semaphore(%arg13 : memref<!tpu.dma_semaphore, #tpu.memory_space<semaphore_mem>>) src(%arg11 : memref<128x128xf32, #tpu.memory_space<vmem>>) dst(%dma_wait3A_171 : memref<128x128xf32, #tpu.memory_space<vmem_shared>>)
      %barrier3A = arith.constant 0 : index
      tpu.barrier barrier_id(%barrier3A)
      %add3A_172 = arith.constant 127 : i32
      %add3A_173 = arith.addi %scan3A_55, %add3A_172 : i32
      %jit3A = arith.constant 128 : i32
      %div3A = arith.divsi %add3A_173, %jit3A : i32
      %sign3A = arith.constant 0 : i32
      %sign3A_174 = arith.cmpi sgt, %add3A_173, %sign3A : i32
      %sign3A_175 = arith.extui %sign3A_174 : i1 to i32
      %sign3A_176 = arith.constant 0 : i32
      %sign3A_177 = arith.cmpi slt, %add3A_173, %sign3A_176 : i32
      %sign3A_178 = arith.extui %sign3A_177 : i1 to i32
      %sign3A_179 = arith.subi %sign3A_175, %sign3A_178 : i32
      %sign3A_180 = arith.constant 0 : i32
      %sign3A_181 = arith.cmpi sgt, %jit3A, %sign3A_180 : i32
      %sign3A_182 = arith.extui %sign3A_181 : i1 to i32
      %sign3A_183 = arith.constant 0 : i32
      %sign3A_184 = arith.cmpi slt, %jit3A, %sign3A_183 : i32
      %sign3A_185 = arith.extui %sign3A_184 : i1 to i32
      %sign3A_186 = arith.subi %sign3A_182, %sign3A_185 : i32
      %ne3A = arith.cmpi ne, %sign3A_179, %sign3A_186 : i32
      %rem3A = arith.remsi %add3A_173, %jit3A : i32
      %ne3A_187 = arith.constant 0 : i32
      %ne3A_188 = arith.cmpi ne, %rem3A, %ne3A_187 : i32
      %and3A = arith.andi %ne3A, %ne3A_188 : i1
      %sub3A_189 = arith.constant 1 : i32
      %sub3A_190 = arith.subi %div3A, %sub3A_189 : i32
      %select_n3A = arith.select %and3A, %sub3A_190, %div3A : i32
      %while3A = arith.constant 0 : i32
      %while3A_191 = arith.constant 0 : i32
      %while3A_192 = arith.subi %select_n3A, %while3A : i32
      %while3A_193 = arith.addi %while3A, %while3A_192 : i32
      %while3A_194 = arith.constant 1 : i32
      %while3A_195 = arith.divsi %while3A_192, %while3A_194 : i32
      %while3A_196 = arith.muli %while3A_195, %while3A_194 : i32
      %while3A_197 = arith.addi %while3A, %while3A_196 : i32
      %while3A_198 = arith.constant 1 : i32
      %while3A_199 = scf.for %while3A_211 = %while3A to %while3A_197 step %while3A_198 iter_args(%while3A_212 = %while3A_191) -> (i32)  : i32 {
        %mul3A_213 = arith.constant 128 : i32
        %mul3A_214 = arith.muli %while3A_211, %mul3A_213 : i32
        %add3A_215 = arith.constant 0 : i32
        %add3A_216 = arith.addi %mul3A_214, %add3A_215 : i32
        %get3A = arith.index_cast %add3A_216 : i32 to index
        %get3A_217 = tpu.vector_load %arg7[%get3A] {strides = array<i32>} : memref<8320xi32, #tpu.memory_space<vmem>>, vector<16xi32>,
        %swap3A = arith.constant 0 : index
        %swap3A_218 = tpu.vector_load %arg9[%swap3A] {strides = array<i32>} : memref<128xi32, #tpu.memory_space<vmem>>, vector<16xi32>,
        tpu.vector_store %arg9[%swap3A], %get3A_217 {strides = array<i32>} : memref<128xi32, #tpu.memory_space<vmem>>, vector<16xi32>,
        %mul3A_219 = arith.constant 128 : i32
        %mul3A_220 = arith.muli %while3A_211, %mul3A_219 : i32
        %add3A_221 = arith.constant 16 : i32
        %add3A_222 = arith.addi %mul3A_220, %add3A_221 : i32
        %get3A_223 = arith.index_cast %add3A_222 : i32 to index
        %get3A_224 = tpu.vector_load %arg7[%get3A_223] {strides = array<i32>} : memref<8320xi32, #tpu.memory_space<vmem>>, vector<16xi32>,
        %swap3A_225 = arith.constant 16 : index
        %swap3A_226 = tpu.vector_load %arg9[%swap3A_225] {strides = array<i32>} : memref<128xi32, #tpu.memory_space<vmem>>, vector<16xi32>,
        tpu.vector_store %arg9[%swap3A_225], %get3A_224 {strides = array<i32>} : memref<128xi32, #tpu.memory_space<vmem>>, vector<16xi32>,
        %mul3A_227 = arith.constant 128 : i32
        %mul3A_228 = arith.muli %while3A_211, %mul3A_227 : i32
        %add3A_229 = arith.constant 32 : i32
        %add3A_230 = arith.addi %mul3A_228, %add3A_229 : i32
        %get3A_231 = arith.index_cast %add3A_230 : i32 to index
        %get3A_232 = tpu.vector_load %arg7[%get3A_231] {strides = array<i32>} : memref<8320xi32, #tpu.memory_space<vmem>>, vector<16xi32>,
        %swap3A_233 = arith.constant 32 : index
        %swap3A_234 = tpu.vector_load %arg9[%swap3A_233] {strides = array<i32>} : memref<128xi32, #tpu.memory_space<vmem>>, vector<16xi32>,
        tpu.vector_store %arg9[%swap3A_233], %get3A_232 {strides = array<i32>} : memref<128xi32, #tpu.memory_space<vmem>>, vector<16xi32>,
        %mul3A_235 = arith.constant 128 : i32
        %mul3A_236 = arith.muli %while3A_211, %mul3A_235 : i32
        %add3A_237 = arith.constant 48 : i32
        %add3A_238 = arith.addi %mul3A_236, %add3A_237 : i32
        %get3A_239 = arith.index_cast %add3A_238 : i32 to index
        %get3A_240 = tpu.vector_load %arg7[%get3A_239] {strides = array<i32>} : memref<8320xi32, #tpu.memory_space<vmem>>, vector<16xi32>,
        %swap3A_241 = arith.constant 48 : index
        %swap3A_242 = tpu.vector_load %arg9[%swap3A_241] {strides = array<i32>} : memref<128xi32, #tpu.memory_space<vmem>>, vector<16xi32>,
        tpu.vector_store %arg9[%swap3A_241], %get3A_240 {strides = array<i32>} : memref<128xi32, #tpu.memory_space<vmem>>, vector<16xi32>,
        %mul3A_243 = arith.constant 128 : i32
        %mul3A_244 = arith.muli %while3A_211, %mul3A_243 : i32
        %add3A_245 = arith.constant 64 : i32
        %add3A_246 = arith.addi %mul3A_244, %add3A_245 : i32
        %get3A_247 = arith.index_cast %add3A_246 : i32 to index
        %get3A_248 = tpu.vector_load %arg7[%get3A_247] {strides = array<i32>} : memref<8320xi32, #tpu.memory_space<vmem>>, vector<16xi32>,
        %swap3A_249 = arith.constant 64 : index
        %swap3A_250 = tpu.vector_load %arg9[%swap3A_249] {strides = array<i32>} : memref<128xi32, #tpu.memory_space<vmem>>, vector<16xi32>,
        tpu.vector_store %arg9[%swap3A_249], %get3A_248 {strides = array<i32>} : memref<128xi32, #tpu.memory_space<vmem>>, vector<16xi32>,
        %mul3A_251 = arith.constant 128 : i32
        %mul3A_252 = arith.muli %while3A_211, %mul3A_251 : i32
        %add3A_253 = arith.constant 80 : i32
        %add3A_254 = arith.addi %mul3A_252, %add3A_253 : i32
        %get3A_255 = arith.index_cast %add3A_254 : i32 to index
        %get3A_256 = tpu.vector_load %arg7[%get3A_255] {strides = array<i32>} : memref<8320xi32, #tpu.memory_space<vmem>>, vector<16xi32>,
        %swap3A_257 = arith.constant 80 : index
        %swap3A_258 = tpu.vector_load %arg9[%swap3A_257] {strides = array<i32>} : memref<128xi32, #tpu.memory_space<vmem>>, vector<16xi32>,
        tpu.vector_store %arg9[%swap3A_257], %get3A_256 {strides = array<i32>} : memref<128xi32, #tpu.memory_space<vmem>>, vector<16xi32>,
        %mul3A_259 = arith.constant 128 : i32
        %mul3A_260 = arith.muli %while3A_211, %mul3A_259 : i32
        %add3A_261 = arith.constant 96 : i32
        %add3A_262 = arith.addi %mul3A_260, %add3A_261 : i32
        %get3A_263 = arith.index_cast %add3A_262 : i32 to index
        %get3A_264 = tpu.vector_load %arg7[%get3A_263] {strides = array<i32>} : memref<8320xi32, #tpu.memory_space<vmem>>, vector<16xi32>,
        %swap3A_265 = arith.constant 96 : index
        %swap3A_266 = tpu.vector_load %arg9[%swap3A_265] {strides = array<i32>} : memref<128xi32, #tpu.memory_space<vmem>>, vector<16xi32>,
        tpu.vector_store %arg9[%swap3A_265], %get3A_264 {strides = array<i32>} : memref<128xi32, #tpu.memory_space<vmem>>, vector<16xi32>,
        %mul3A_267 = arith.constant 128 : i32
        %mul3A_268 = arith.muli %while3A_211, %mul3A_267 : i32
        %add3A_269 = arith.constant 112 : i32
        %add3A_270 = arith.addi %mul3A_268, %add3A_269 : i32
        %get3A_271 = arith.index_cast %add3A_270 : i32 to index
        %get3A_272 = tpu.vector_load %arg7[%get3A_271] {strides = array<i32>} : memref<8320xi32, #tpu.memory_space<vmem>>, vector<16xi32>,
        %swap3A_273 = arith.constant 112 : index
        %swap3A_274 = tpu.vector_load %arg9[%swap3A_273] {strides = array<i32>} : memref<128xi32, #tpu.memory_space<vmem>>, vector<16xi32>,
        tpu.vector_store %arg9[%swap3A_273], %get3A_272 {strides = array<i32>} : memref<128xi32, #tpu.memory_space<vmem>>, vector<16xi32>,
        %mul3A_275 = arith.constant 128 : i32
        %mul3A_276 = arith.muli %while3A_211, %mul3A_275 : i32
        %dma_start3A_277 = tpu.memref_slice %arg6[%mul3A_276] : memref<8320xi32, #tpu.memory_space<vmem>> -> memref<128xi32, #tpu.memory_space<vmem>>
        %dma_start3A_278 = arith.constant 0 : i32
        %dma_start3A_279 = arith.constant 0 : i32
        %dma_start3A_280 = tpu.memref_slice %arg3[%dma_start3A_278, %dma_start3A_279] : memref<262144x128xf32, #tpu.memory_space<hbm>> -> memref<262144x128xf32, #tpu.memory_space<hbm>>
        tpu.enqueue_indirect_dma source(%dma_start3A_280 : memref<262144x128xf32, #tpu.memory_space<hbm>>) target(%arg10 : memref<128x128xf32, #tpu.memory_space<vmem>>) offsets(%dma_start3A_277 : memref<128xi32, #tpu.memory_space<vmem>>) semaphore(%arg14 : memref<!tpu.dma_semaphore, #tpu.memory_space<semaphore_mem>>)
        %dma_wait3A_281 = tpu.memref_slice %arg6[%mul3A_276] : memref<8320xi32, #tpu.memory_space<vmem>> -> memref<128xi32, #tpu.memory_space<vmem>>
        %dma_wait3A_282 = arith.constant 0 : i32
        %dma_wait3A_283 = arith.constant 0 : i32
        %dma_wait3A_284 = tpu.memref_slice %arg3[%dma_wait3A_282, %dma_wait3A_283] : memref<262144x128xf32, #tpu.memory_space<hbm>> -> memref<262144x128xf32, #tpu.memory_space<hbm>>
        tpu.wait_indirect_dma semaphore(%arg14 : memref<!tpu.dma_semaphore, #tpu.memory_space<semaphore_mem>>) src(%dma_wait3A_284 : memref<262144x128xf32, #tpu.memory_space<hbm>>) dst(%arg10 : memref<128x128xf32, #tpu.memory_space<vmem>>)
        "tpu.region"() ({
          %run_scoped3A_286 = tpu.sem_alloc : memref<!tpu.dma_semaphore, #tpu.memory_space<semaphore_mem>>
          %dma_start3A_287 = arith.constant 0 : i32
          %dma_start3A_288 = arith.constant 0 : i32
          %dma_start3A_289 = tpu.memref_slice %arg12[%dma_start3A_287, %dma_start3A_288] : memref<8208x128xf32, #tpu.memory_space<vmem_shared>> -> memref<8208x128xf32, #tpu.memory_space<vmem_shared>>
          tpu.enqueue_indirect_dma source(%arg10 : memref<128x128xf32, #tpu.memory_space<vmem>>) target(%dma_start3A_289 : memref<8208x128xf32, #tpu.memory_space<vmem_shared>>) offsets(%arg9 : memref<128xi32, #tpu.memory_space<vmem>>) semaphore(%run_scoped3A_286 : memref<!tpu.dma_semaphore, #tpu.memory_space<semaphore_mem>>) {add = true}
          %dma_wait3A_290 = arith.constant 0 : i32
          %dma_wait3A_291 = arith.constant 0 : i32
          %dma_wait3A_292 = tpu.memref_slice %arg12[%dma_wait3A_290, %dma_wait3A_291] : memref<8208x128xf32, #tpu.memory_space<vmem_shared>> -> memref<8208x128xf32, #tpu.memory_space<vmem_shared>>
          tpu.wait_indirect_dma semaphore(%run_scoped3A_286 : memref<!tpu.dma_semaphore, #tpu.memory_space<semaphore_mem>>) src(%arg10 : memref<128x128xf32, #tpu.memory_space<vmem>>) dst(%dma_wait3A_292 : memref<8208x128xf32, #tpu.memory_space<vmem_shared>>)
          tpu.yield
        }) : () -> ()
        %while3A_285 = arith.constant 0 : i32
        scf.yield %while3A_285 : i32
      }
      %while3A_200 = arith.constant 1 : i32
      %while3A_201 = scf.for %while3A_211 = %while3A_197 to %while3A_193 step %while3A_200 iter_args(%while3A_212 = %while3A_199) -> (i32)  : i32 {
        %mul3A_213 = arith.constant 128 : i32
        %mul3A_214 = arith.muli %while3A_211, %mul3A_213 : i32
        %add3A_215 = arith.constant 0 : i32
        %add3A_216 = arith.addi %mul3A_214, %add3A_215 : i32
        %get3A = arith.index_cast %add3A_216 : i32 to index
        %get3A_217 = tpu.vector_load %arg7[%get3A] {strides = array<i32>} : memref<8320xi32, #tpu.memory_space<vmem>>, vector<16xi32>,
        %swap3A = arith.constant 0 : index
        %swap3A_218 = tpu.vector_load %arg9[%swap3A] {strides = array<i32>} : memref<128xi32, #tpu.memory_space<vmem>>, vector<16xi32>,
        tpu.vector_store %arg9[%swap3A], %get3A_217 {strides = array<i32>} : memref<128xi32, #tpu.memory_space<vmem>>, vector<16xi32>,
        %mul3A_219 = arith.constant 128 : i32
        %mul3A_220 = arith.muli %while3A_211, %mul3A_219 : i32
        %add3A_221 = arith.constant 16 : i32
        %add3A_222 = arith.addi %mul3A_220, %add3A_221 : i32
        %get3A_223 = arith.index_cast %add3A_222 : i32 to index
        %get3A_224 = tpu.vector_load %arg7[%get3A_223] {strides = array<i32>} : memref<8320xi32, #tpu.memory_space<vmem>>, vector<16xi32>,
        %swap3A_225 = arith.constant 16 : index
        %swap3A_226 = tpu.vector_load %arg9[%swap3A_225] {strides = array<i32>} : memref<128xi32, #tpu.memory_space<vmem>>, vector<16xi32>,
        tpu.vector_store %arg9[%swap3A_225], %get3A_224 {strides = array<i32>} : memref<128xi32, #tpu.memory_space<vmem>>, vector<16xi32>,
        %mul3A_227 = arith.constant 128 : i32
        %mul3A_228 = arith.muli %while3A_211, %mul3A_227 : i32
        %add3A_229 = arith.constant 32 : i32
        %add3A_230 = arith.addi %mul3A_228, %add3A_229 : i32
        %get3A_231 = arith.index_cast %add3A_230 : i32 to index
        %get3A_232 = tpu.vector_load %arg7[%get3A_231] {strides = array<i32>} : memref<8320xi32, #tpu.memory_space<vmem>>, vector<16xi32>,
        %swap3A_233 = arith.constant 32 : index
        %swap3A_234 = tpu.vector_load %arg9[%swap3A_233] {strides = array<i32>} : memref<128xi32, #tpu.memory_space<vmem>>, vector<16xi32>,
        tpu.vector_store %arg9[%swap3A_233], %get3A_232 {strides = array<i32>} : memref<128xi32, #tpu.memory_space<vmem>>, vector<16xi32>,
        %mul3A_235 = arith.constant 128 : i32
        %mul3A_236 = arith.muli %while3A_211, %mul3A_235 : i32
        %add3A_237 = arith.constant 48 : i32
        %add3A_238 = arith.addi %mul3A_236, %add3A_237 : i32
        %get3A_239 = arith.index_cast %add3A_238 : i32 to index
        %get3A_240 = tpu.vector_load %arg7[%get3A_239] {strides = array<i32>} : memref<8320xi32, #tpu.memory_space<vmem>>, vector<16xi32>,
        %swap3A_241 = arith.constant 48 : index
        %swap3A_242 = tpu.vector_load %arg9[%swap3A_241] {strides = array<i32>} : memref<128xi32, #tpu.memory_space<vmem>>, vector<16xi32>,
        tpu.vector_store %arg9[%swap3A_241], %get3A_240 {strides = array<i32>} : memref<128xi32, #tpu.memory_space<vmem>>, vector<16xi32>,
        %mul3A_243 = arith.constant 128 : i32
        %mul3A_244 = arith.muli %while3A_211, %mul3A_243 : i32
        %add3A_245 = arith.constant 64 : i32
        %add3A_246 = arith.addi %mul3A_244, %add3A_245 : i32
        %get3A_247 = arith.index_cast %add3A_246 : i32 to index
        %get3A_248 = tpu.vector_load %arg7[%get3A_247] {strides = array<i32>} : memref<8320xi32, #tpu.memory_space<vmem>>, vector<16xi32>,
        %swap3A_249 = arith.constant 64 : index
        %swap3A_250 = tpu.vector_load %arg9[%swap3A_249] {strides = array<i32>} : memref<128xi32, #tpu.memory_space<vmem>>, vector<16xi32>,
        tpu.vector_store %arg9[%swap3A_249], %get3A_248 {strides = array<i32>} : memref<128xi32, #tpu.memory_space<vmem>>, vector<16xi32>,
        %mul3A_251 = arith.constant 128 : i32
        %mul3A_252 = arith.muli %while3A_211, %mul3A_251 : i32
        %add3A_253 = arith.constant 80 : i32
        %add3A_254 = arith.addi %mul3A_252, %add3A_253 : i32
        %get3A_255 = arith.index_cast %add3A_254 : i32 to index
        %get3A_256 = tpu.vector_load %arg7[%get3A_255] {strides = array<i32>} : memref<8320xi32, #tpu.memory_space<vmem>>, vector<16xi32>,
        %swap3A_257 = arith.constant 80 : index
        %swap3A_258 = tpu.vector_load %arg9[%swap3A_257] {strides = array<i32>} : memref<128xi32, #tpu.memory_space<vmem>>, vector<16xi32>,
        tpu.vector_store %arg9[%swap3A_257], %get3A_256 {strides = array<i32>} : memref<128xi32, #tpu.memory_space<vmem>>, vector<16xi32>,
        %mul3A_259 = arith.constant 128 : i32
        %mul3A_260 = arith.muli %while3A_211, %mul3A_259 : i32
        %add3A_261 = arith.constant 96 : i32
        %add3A_262 = arith.addi %mul3A_260, %add3A_261 : i32
        %get3A_263 = arith.index_cast %add3A_262 : i32 to index
        %get3A_264 = tpu.vector_load %arg7[%get3A_263] {strides = array<i32>} : memref<8320xi32, #tpu.memory_space<vmem>>, vector<16xi32>,
        %swap3A_265 = arith.constant 96 : index
        %swap3A_266 = tpu.vector_load %arg9[%swap3A_265] {strides = array<i32>} : memref<128xi32, #tpu.memory_space<vmem>>, vector<16xi32>,
        tpu.vector_store %arg9[%swap3A_265], %get3A_264 {strides = array<i32>} : memref<128xi32, #tpu.memory_space<vmem>>, vector<16xi32>,
        %mul3A_267 = arith.constant 128 : i32
        %mul3A_268 = arith.muli %while3A_211, %mul3A_267 : i32
        %add3A_269 = arith.constant 112 : i32
        %add3A_270 = arith.addi %mul3A_268, %add3A_269 : i32
        %get3A_271 = arith.index_cast %add3A_270 : i32 to index
        %get3A_272 = tpu.vector_load %arg7[%get3A_271] {strides = array<i32>} : memref<8320xi32, #tpu.memory_space<vmem>>, vector<16xi32>,
        %swap3A_273 = arith.constant 112 : index
        %swap3A_274 = tpu.vector_load %arg9[%swap3A_273] {strides = array<i32>} : memref<128xi32, #tpu.memory_space<vmem>>, vector<16xi32>,
        tpu.vector_store %arg9[%swap3A_273], %get3A_272 {strides = array<i32>} : memref<128xi32, #tpu.memory_space<vmem>>, vector<16xi32>,
        %mul3A_275 = arith.constant 128 : i32
        %mul3A_276 = arith.muli %while3A_211, %mul3A_275 : i32
        %dma_start3A_277 = tpu.memref_slice %arg6[%mul3A_276] : memref<8320xi32, #tpu.memory_space<vmem>> -> memref<128xi32, #tpu.memory_space<vmem>>
        %dma_start3A_278 = arith.constant 0 : i32
        %dma_start3A_279 = arith.constant 0 : i32
        %dma_start3A_280 = tpu.memref_slice %arg3[%dma_start3A_278, %dma_start3A_279] : memref<262144x128xf32, #tpu.memory_space<hbm>> -> memref<262144x128xf32, #tpu.memory_space<hbm>>
        tpu.enqueue_indirect_dma source(%dma_start3A_280 : memref<262144x128xf32, #tpu.memory_space<hbm>>) target(%arg10 : memref<128x128xf32, #tpu.memory_space<vmem>>) offsets(%dma_start3A_277 : memref<128xi32, #tpu.memory_space<vmem>>) semaphore(%arg14 : memref<!tpu.dma_semaphore, #tpu.memory_space<semaphore_mem>>)
        %dma_wait3A_281 = tpu.memref_slice %arg6[%mul3A_276] : memref<8320xi32, #tpu.memory_space<vmem>> -> memref<128xi32, #tpu.memory_space<vmem>>
        %dma_wait3A_282 = arith.constant 0 : i32
        %dma_wait3A_283 = arith.constant 0 : i32
        %dma_wait3A_284 = tpu.memref_slice %arg3[%dma_wait3A_282, %dma_wait3A_283] : memref<262144x128xf32, #tpu.memory_space<hbm>> -> memref<262144x128xf32, #tpu.memory_space<hbm>>
        tpu.wait_indirect_dma semaphore(%arg14 : memref<!tpu.dma_semaphore, #tpu.memory_space<semaphore_mem>>) src(%dma_wait3A_284 : memref<262144x128xf32, #tpu.memory_space<hbm>>) dst(%arg10 : memref<128x128xf32, #tpu.memory_space<vmem>>)
        "tpu.region"() ({
          %run_scoped3A_286 = tpu.sem_alloc : memref<!tpu.dma_semaphore, #tpu.memory_space<semaphore_mem>>
          %dma_start3A_287 = arith.constant 0 : i32
          %dma_start3A_288 = arith.constant 0 : i32
          %dma_start3A_289 = tpu.memref_slice %arg12[%dma_start3A_287, %dma_start3A_288] : memref<8208x128xf32, #tpu.memory_space<vmem_shared>> -> memref<8208x128xf32, #tpu.memory_space<vmem_shared>>
          tpu.enqueue_indirect_dma source(%arg10 : memref<128x128xf32, #tpu.memory_space<vmem>>) target(%dma_start3A_289 : memref<8208x128xf32, #tpu.memory_space<vmem_shared>>) offsets(%arg9 : memref<128xi32, #tpu.memory_space<vmem>>) semaphore(%run_scoped3A_286 : memref<!tpu.dma_semaphore, #tpu.memory_space<semaphore_mem>>) {add = true}
          %dma_wait3A_290 = arith.constant 0 : i32
          %dma_wait3A_291 = arith.constant 0 : i32
          %dma_wait3A_292 = tpu.memref_slice %arg12[%dma_wait3A_290, %dma_wait3A_291] : memref<8208x128xf32, #tpu.memory_space<vmem_shared>> -> memref<8208x128xf32, #tpu.memory_space<vmem_shared>>
          tpu.wait_indirect_dma semaphore(%run_scoped3A_286 : memref<!tpu.dma_semaphore, #tpu.memory_space<semaphore_mem>>) src(%arg10 : memref<128x128xf32, #tpu.memory_space<vmem>>) dst(%dma_wait3A_292 : memref<8208x128xf32, #tpu.memory_space<vmem_shared>>)
          tpu.yield
        }) : () -> ()
        %while3A_285 = arith.constant 0 : i32
        scf.yield %while3A_285 : i32
      }
      %barrier3A_202 = arith.constant 0 : index
      tpu.barrier barrier_id(%barrier3A_202)
      %add3A_203 = arith.addi %mul3A_49, %mul3A_0 : i32
      %dma_start3A_204 = arith.constant 0 : i32
      %dma_start3A_205 = arith.constant 0 : i32
      %dma_start3A_206 = tpu.memref_slice %arg4[%dma_start3A_204, %add3A_203, %dma_start3A_205] : memref<2x262144x128xf32, #tpu.memory_space<hbm>> -> memref<1x512x128xf32, #tpu.memory_space<hbm>>
      %dma_start3A_207 = tpu.memref_squeeze %dma_start3A_206 : memref<1x512x128xf32, #tpu.memory_space<hbm>> -> memref<512x128xf32, #tpu.memory_space<hbm>>
      %dma_start3A_208 = arith.constant 0 : i32
      %dma_start3A_209 = tpu.memref_slice %arg12[%mul3A_0, %dma_start3A_208] : memref<8208x128xf32, #tpu.memory_space<vmem_shared>> -> memref<512x128xf32, #tpu.memory_space<vmem_shared>>
      tpu.enqueue_dma source(%dma_start3A_209 : memref<512x128xf32, #tpu.memory_space<vmem_shared>>) target(%dma_start3A_207 : memref<512x128xf32, #tpu.memory_space<hbm>>) target_semaphore(%arg15 : memref<!tpu.dma_semaphore, #tpu.memory_space<semaphore_mem>>)
      %scan3A_210 = arith.constant 0 : i32
      scf.yield %scan3A_210 : i32
    }
    %scan3A_19 = arith.constant 16 : i32
    %mul3A_20 = arith.constant 8192 : i32
    %mul3A_21 = arith.muli %arg1, %mul3A_20 : i32
    %run_scoped3A_22 = arith.constant 1 : i32
    "tpu.region"() ({
      %run_scoped3A_43 = tpu.sem_alloc : memref<!tpu.dma_semaphore, #tpu.memory_space<semaphore_mem>>
      %dma_start3A = tpu.memref_slice %arg2[%run_scoped3A_22, %mul3A_21] : memref<2x131072xi32, #tpu.memory_space<hbm>> -> memref<1x8192xi32, #tpu.memory_space<hbm>>
      %dma_start3A_44 = tpu.memref_squeeze %dma_start3A : memref<1x8192xi32, #tpu.memory_space<hbm>> -> memref<8192xi32, #tpu.memory_space<hbm>>
      %dma_start3A_45 = tpu.memref_slice %arg2[%run_scoped3A_22, %mul3A_21] : memref<2x131072xi32, #tpu.memory_space<hbm>> -> memref<1x8192xi32, #tpu.memory_space<hbm>>
      %dma_start3A_46 = tpu.memref_squeeze %dma_start3A_45 : memref<1x8192xi32, #tpu.memory_space<hbm>> -> memref<8192xi32, #tpu.memory_space<hbm>>
      tpu.enqueue_dma source(%dma_start3A_46 : memref<8192xi32, #tpu.memory_space<hbm>>) target(%arg5 : memref<8192xi32, #tpu.memory_space<vmem>>) target_semaphore(%run_scoped3A_43 : memref<!tpu.dma_semaphore, #tpu.memory_space<semaphore_mem>>)
      %dma_wait3A_47 = tpu.memref_slice %arg2[%run_scoped3A_22, %mul3A_21] : memref<2x131072xi32, #tpu.memory_space<hbm>> -> memref<1x8192xi32, #tpu.memory_space<hbm>>
      %dma_wait3A_48 = tpu.memref_squeeze %dma_wait3A_47 : memref<1x8192xi32, #tpu.memory_space<hbm>> -> memref<8192xi32, #tpu.memory_space<hbm>>
      %dma_wait3A_49 = tpu.memref_slice %arg2[%run_scoped3A_22, %mul3A_21] : memref<2x131072xi32, #tpu.memory_space<hbm>> -> memref<1x8192xi32, #tpu.memory_space<hbm>>
      %dma_wait3A_50 = tpu.memref_squeeze %dma_wait3A_49 : memref<1x8192xi32, #tpu.memory_space<hbm>> -> memref<8192xi32, #tpu.memory_space<hbm>>
      tpu.wait_dma2 semaphore(%run_scoped3A_43 : memref<!tpu.dma_semaphore, #tpu.memory_space<semaphore_mem>>) src(%dma_wait3A_50 : memref<8192xi32, #tpu.memory_space<hbm>>) dst(%arg5 : memref<8192xi32, #tpu.memory_space<vmem>>)
      tpu.yield
    }) : () -> ()
    %scan3A_23 = arith.constant 0 : i32
    %scan3A_24 = arith.constant 0 : i32
    %scan3A_25 = arith.constant 16 : i32
    %scan3A_26 = arith.addi %scan3A_24, %scan3A_25 : i32
    %scan3A_27 = arith.constant 1 : i32
    %scan3A_28 = scf.for %scan3A_43 = %scan3A_24 to %scan3A_26 step %scan3A_27 iter_args(%scan3A_44 = %scan3A_23) -> (i32)  : i32 {
      %mul3A_45 = arith.constant 16 : i32
      %mul3A_46 = arith.muli %arg0, %mul3A_45 : i32
      %add3A_47 = arith.addi %mul3A_46, %scan3A_43 : i32
      %mul3A_48 = arith.constant 8192 : i32
      %mul3A_49 = arith.muli %add3A_47, %mul3A_48 : i32
      %scan3A_50 = arith.constant 0 : i32
      %scan3A_51 = arith.constant 0 : i32
      %scan3A_52 = arith.constant 128 : i32
      %scan3A_53 = arith.addi %scan3A_51, %scan3A_52 : i32
      %scan3A_54 = arith.constant 1 : i32
      %scan3A_55 = scf.for %scan3A_211 = %scan3A_51 to %scan3A_53 step %scan3A_54 iter_args(%scan3A_212 = %scan3A_50) -> (i32)  : i32 {
        %mul3A_213 = arith.constant 4 : i32
        %mul3A_214 = arith.muli %scan3A_211, %mul3A_213 : i32
        %add3A_215 = arith.constant 0 : i32
        %add3A_216 = arith.addi %mul3A_214, %add3A_215 : i32
        %mul3A_217 = arith.constant 16 : i32
        %mul3A_218 = arith.muli %add3A_216, %mul3A_217 : i32
        %get3A = arith.index_cast %mul3A_218 : i32 to index
        %get3A_219 = tpu.vector_load %arg5[%get3A] {strides = array<i32>} : memref<8192xi32, #tpu.memory_space<vmem>>, vector<16xi32>,
        %shift_right_arithmetic3A = arith.constant 13 : i32
        %shift_right_arithmetic3A_220 = vector.broadcast %shift_right_arithmetic3A : i32 to vector<16xi32>
        %shift_right_arithmetic3A_221 = arith.shrsi %get3A_219, %shift_right_arithmetic3A_220 : vector<16xi32>
        %eq3A = vector.broadcast %add3A_47 : i32 to vector<16xi32>
        %eq3A_222 = arith.cmpi eq, %shift_right_arithmetic3A_221, %eq3A : vector<16xi32>
        %and3A_223 = arith.constant 8191 : i32
        %and3A_224 = vector.broadcast %and3A_223 : i32 to vector<16xi32>
        %and3A_225 = arith.andi %get3A_219, %and3A_224 : vector<16xi32>
        %mul3A_226 = arith.constant 8192 : i32
        %mul3A_227 = arith.muli %arg1, %mul3A_226 : i32
        %add3A_228 = arith.constant 131072 : i32
        %add3A_229 = arith.addi %add3A_228, %mul3A_227 : i32
        %mul3A_230 = arith.constant 4 : i32
        %mul3A_231 = arith.muli %scan3A_211, %mul3A_230 : i32
        %add3A_232 = arith.constant 0 : i32
        %add3A_233 = arith.addi %mul3A_231, %add3A_232 : i32
        %mul3A_234 = arith.constant 16 : i32
        %mul3A_235 = arith.muli %add3A_233, %mul3A_234 : i32
        %add3A_236 = arith.addi %add3A_229, %mul3A_235 : i32
        %broadcast_in_dim3A_237 = vector.broadcast %add3A_236 : i32 to vector<16xi32>
        %add3A_238 = arith.addi %broadcast_in_dim3A_237, %iota3A : vector<16xi32>
        %convert_element_type3A_239 = arith.extui %eq3A_222 : vector<16xi1> to vector<16xi32>
        %broadcast_in_dim3A_240 = arith.constant true
        %broadcast_in_dim3A_241 = vector.broadcast %broadcast_in_dim3A_240 : i1 to vector<16xi1>
        %masked_cumsum3A = tpu.scan <sum>, %convert_element_type3A_239 masked %broadcast_in_dim3A_241 : vector<16xi32>, vector<16xi1> -> vector<16xi32>
        %mul3A_242 = arith.constant 4 : i32
        %mul3A_243 = arith.muli %scan3A_211, %mul3A_242 : i32
        %add3A_244 = arith.constant 1 : i32
        %add3A_245 = arith.addi %mul3A_243, %add3A_244 : i32
        %mul3A_246 = arith.constant 16 : i32
        %mul3A_247 = arith.muli %add3A_245, %mul3A_246 : i32
        %get3A_248 = arith.index_cast %mul3A_247 : i32 to index
        %get3A_249 = tpu.vector_load %arg5[%get3A_248] {strides = array<i32>} : memref<8192xi32, #tpu.memory_space<vmem>>, vector<16xi32>,
        %shift_right_arithmetic3A_250 = arith.constant 13 : i32
        %shift_right_arithmetic3A_251 = vector.broadcast %shift_right_arithmetic3A_250 : i32 to vector<16xi32>
        %shift_right_arithmetic3A_252 = arith.shrsi %get3A_249, %shift_right_arithmetic3A_251 : vector<16xi32>
        %eq3A_253 = vector.broadcast %add3A_47 : i32 to vector<16xi32>
        %eq3A_254 = arith.cmpi eq, %shift_right_arithmetic3A_252, %eq3A_253 : vector<16xi32>
        %and3A_255 = arith.constant 8191 : i32
        %and3A_256 = vector.broadcast %and3A_255 : i32 to vector<16xi32>
        %and3A_257 = arith.andi %get3A_249, %and3A_256 : vector<16xi32>
        %mul3A_258 = arith.constant 8192 : i32
        %mul3A_259 = arith.muli %arg1, %mul3A_258 : i32
        %add3A_260 = arith.constant 131072 : i32
        %add3A_261 = arith.addi %add3A_260, %mul3A_259 : i32
        %mul3A_262 = arith.constant 4 : i32
        %mul3A_263 = arith.muli %scan3A_211, %mul3A_262 : i32
        %add3A_264 = arith.constant 1 : i32
        %add3A_265 = arith.addi %mul3A_263, %add3A_264 : i32
        %mul3A_266 = arith.constant 16 : i32
        %mul3A_267 = arith.muli %add3A_265, %mul3A_266 : i32
        %add3A_268 = arith.addi %add3A_261, %mul3A_267 : i32
        %broadcast_in_dim3A_269 = vector.broadcast %add3A_268 : i32 to vector<16xi32>
        %add3A_270 = arith.addi %broadcast_in_dim3A_269, %iota3A : vector<16xi32>
        %convert_element_type3A_271 = arith.extui %eq3A_254 : vector<16xi1> to vector<16xi32>
        %broadcast_in_dim3A_272 = arith.constant true
        %broadcast_in_dim3A_273 = vector.broadcast %broadcast_in_dim3A_272 : i1 to vector<16xi1>
        %masked_cumsum3A_274 = tpu.scan <sum>, %convert_element_type3A_271 masked %broadcast_in_dim3A_273 : vector<16xi32>, vector<16xi1> -> vector<16xi32>
        %mul3A_275 = arith.constant 4 : i32
        %mul3A_276 = arith.muli %scan3A_211, %mul3A_275 : i32
        %add3A_277 = arith.constant 2 : i32
        %add3A_278 = arith.addi %mul3A_276, %add3A_277 : i32
        %mul3A_279 = arith.constant 16 : i32
        %mul3A_280 = arith.muli %add3A_278, %mul3A_279 : i32
        %get3A_281 = arith.index_cast %mul3A_280 : i32 to index
        %get3A_282 = tpu.vector_load %arg5[%get3A_281] {strides = array<i32>} : memref<8192xi32, #tpu.memory_space<vmem>>, vector<16xi32>,
        %shift_right_arithmetic3A_283 = arith.constant 13 : i32
        %shift_right_arithmetic3A_284 = vector.broadcast %shift_right_arithmetic3A_283 : i32 to vector<16xi32>
        %shift_right_arithmetic3A_285 = arith.shrsi %get3A_282, %shift_right_arithmetic3A_284 : vector<16xi32>
        %eq3A_286 = vector.broadcast %add3A_47 : i32 to vector<16xi32>
        %eq3A_287 = arith.cmpi eq, %shift_right_arithmetic3A_285, %eq3A_286 : vector<16xi32>
        %and3A_288 = arith.constant 8191 : i32
        %and3A_289 = vector.broadcast %and3A_288 : i32 to vector<16xi32>
        %and3A_290 = arith.andi %get3A_282, %and3A_289 : vector<16xi32>
        %mul3A_291 = arith.constant 8192 : i32
        %mul3A_292 = arith.muli %arg1, %mul3A_291 : i32
        %add3A_293 = arith.constant 131072 : i32
        %add3A_294 = arith.addi %add3A_293, %mul3A_292 : i32
        %mul3A_295 = arith.constant 4 : i32
        %mul3A_296 = arith.muli %scan3A_211, %mul3A_295 : i32
        %add3A_297 = arith.constant 2 : i32
        %add3A_298 = arith.addi %mul3A_296, %add3A_297 : i32
        %mul3A_299 = arith.constant 16 : i32
        %mul3A_300 = arith.muli %add3A_298, %mul3A_299 : i32
        %add3A_301 = arith.addi %add3A_294, %mul3A_300 : i32
        %broadcast_in_dim3A_302 = vector.broadcast %add3A_301 : i32 to vector<16xi32>
        %add3A_303 = arith.addi %broadcast_in_dim3A_302, %iota3A : vector<16xi32>
        %convert_element_type3A_304 = arith.extui %eq3A_287 : vector<16xi1> to vector<16xi32>
        %broadcast_in_dim3A_305 = arith.constant true
        %broadcast_in_dim3A_306 = vector.broadcast %broadcast_in_dim3A_305 : i1 to vector<16xi1>
        %masked_cumsum3A_307 = tpu.scan <sum>, %convert_element_type3A_304 masked %broadcast_in_dim3A_306 : vector<16xi32>, vector<16xi1> -> vector<16xi32>
        %mul3A_308 = arith.constant 4 : i32
        %mul3A_309 = arith.muli %scan3A_211, %mul3A_308 : i32
        %add3A_310 = arith.constant 3 : i32
        %add3A_311 = arith.addi %mul3A_309, %add3A_310 : i32
        %mul3A_312 = arith.constant 16 : i32
        %mul3A_313 = arith.muli %add3A_311, %mul3A_312 : i32
        %get3A_314 = arith.index_cast %mul3A_313 : i32 to index
        %get3A_315 = tpu.vector_load %arg5[%get3A_314] {strides = array<i32>} : memref<8192xi32, #tpu.memory_space<vmem>>, vector<16xi32>,
        %shift_right_arithmetic3A_316 = arith.constant 13 : i32
        %shift_right_arithmetic3A_317 = vector.broadcast %shift_right_arithmetic3A_316 : i32 to vector<16xi32>
        %shift_right_arithmetic3A_318 = arith.shrsi %get3A_315, %shift_right_arithmetic3A_317 : vector<16xi32>
        %eq3A_319 = vector.broadcast %add3A_47 : i32 to vector<16xi32>
        %eq3A_320 = arith.cmpi eq, %shift_right_arithmetic3A_318, %eq3A_319 : vector<16xi32>
        %and3A_321 = arith.constant 8191 : i32
        %and3A_322 = vector.broadcast %and3A_321 : i32 to vector<16xi32>
        %and3A_323 = arith.andi %get3A_315, %and3A_322 : vector<16xi32>
        %mul3A_324 = arith.constant 8192 : i32
        %mul3A_325 = arith.muli %arg1, %mul3A_324 : i32
        %add3A_326 = arith.constant 131072 : i32
        %add3A_327 = arith.addi %add3A_326, %mul3A_325 : i32
        %mul3A_328 = arith.constant 4 : i32
        %mul3A_329 = arith.muli %scan3A_211, %mul3A_328 : i32
        %add3A_330 = arith.constant 3 : i32
        %add3A_331 = arith.addi %mul3A_329, %add3A_330 : i32
        %mul3A_332 = arith.constant 16 : i32
        %mul3A_333 = arith.muli %add3A_331, %mul3A_332 : i32
        %add3A_334 = arith.addi %add3A_327, %mul3A_333 : i32
        %broadcast_in_dim3A_335 = vector.broadcast %add3A_334 : i32 to vector<16xi32>
        %add3A_336 = arith.addi %broadcast_in_dim3A_335, %iota3A : vector<16xi32>
        %convert_element_type3A_337 = arith.extui %eq3A_320 : vector<16xi1> to vector<16xi32>
        %broadcast_in_dim3A_338 = arith.constant true
        %broadcast_in_dim3A_339 = vector.broadcast %broadcast_in_dim3A_338 : i1 to vector<16xi1>
        %masked_cumsum3A_340 = tpu.scan <sum>, %convert_element_type3A_337 masked %broadcast_in_dim3A_339 : vector<16xi32>, vector<16xi1> -> vector<16xi32>
        %add3A_341 = vector.broadcast %scan3A_212 : i32 to vector<16xi32>
        %add3A_342 = arith.addi %add3A_341, %masked_cumsum3A : vector<16xi32>
        %sub3A_343 = arith.constant 1 : i32
        %sub3A_344 = vector.broadcast %sub3A_343 : i32 to vector<16xi32>
        %sub3A_345 = arith.subi %add3A_342, %sub3A_344 : vector<16xi32>
        tpu.vector_store_idx %arg6[%sub3A_345], %add3A_238 masked %eq3A_222 : memref<8320xi32, #tpu.memory_space<vmem>>[vector<16xi32>], vector<16xi32>, vector<16xi1>
        tpu.vector_store_idx %arg7[%sub3A_345], %and3A_225 masked %eq3A_222 : memref<8320xi32, #tpu.memory_space<vmem>>[vector<16xi32>], vector<16xi32>, vector<16xi1>
        %slice3A = vector.extract_strided_slice %masked_cumsum3A {offsets = [15], sizes = [1], strides = [1]} : vector<16xi32> to vector<1xi32>
        %squeeze3A = vector.extract %slice3A[0] : i32 from vector<1xi32>
        %add3A_346 = arith.addi %scan3A_212, %squeeze3A : i32
        %add3A_347 = vector.broadcast %add3A_346 : i32 to vector<16xi32>
        %add3A_348 = arith.addi %add3A_347, %masked_cumsum3A_274 : vector<16xi32>
        %sub3A_349 = arith.constant 1 : i32
        %sub3A_350 = vector.broadcast %sub3A_349 : i32 to vector<16xi32>
        %sub3A_351 = arith.subi %add3A_348, %sub3A_350 : vector<16xi32>
        tpu.vector_store_idx %arg6[%sub3A_351], %add3A_270 masked %eq3A_254 : memref<8320xi32, #tpu.memory_space<vmem>>[vector<16xi32>], vector<16xi32>, vector<16xi1>
        tpu.vector_store_idx %arg7[%sub3A_351], %and3A_257 masked %eq3A_254 : memref<8320xi32, #tpu.memory_space<vmem>>[vector<16xi32>], vector<16xi32>, vector<16xi1>
        %slice3A_352 = vector.extract_strided_slice %masked_cumsum3A_274 {offsets = [15], sizes = [1], strides = [1]} : vector<16xi32> to vector<1xi32>
        %squeeze3A_353 = vector.extract %slice3A_352[0] : i32 from vector<1xi32>
        %add3A_354 = arith.addi %add3A_346, %squeeze3A_353 : i32
        %add3A_355 = vector.broadcast %add3A_354 : i32 to vector<16xi32>
        %add3A_356 = arith.addi %add3A_355, %masked_cumsum3A_307 : vector<16xi32>
        %sub3A_357 = arith.constant 1 : i32
        %sub3A_358 = vector.broadcast %sub3A_357 : i32 to vector<16xi32>
        %sub3A_359 = arith.subi %add3A_356, %sub3A_358 : vector<16xi32>
        tpu.vector_store_idx %arg6[%sub3A_359], %add3A_303 masked %eq3A_287 : memref<8320xi32, #tpu.memory_space<vmem>>[vector<16xi32>], vector<16xi32>, vector<16xi1>
        tpu.vector_store_idx %arg7[%sub3A_359], %and3A_290 masked %eq3A_287 : memref<8320xi32, #tpu.memory_space<vmem>>[vector<16xi32>], vector<16xi32>, vector<16xi1>
        %slice3A_360 = vector.extract_strided_slice %masked_cumsum3A_307 {offsets = [15], sizes = [1], strides = [1]} : vector<16xi32> to vector<1xi32>
        %squeeze3A_361 = vector.extract %slice3A_360[0] : i32 from vector<1xi32>
        %add3A_362 = arith.addi %add3A_354, %squeeze3A_361 : i32
        %add3A_363 = vector.broadcast %add3A_362 : i32 to vector<16xi32>
        %add3A_364 = arith.addi %add3A_363, %masked_cumsum3A_340 : vector<16xi32>
        %sub3A_365 = arith.constant 1 : i32
        %sub3A_366 = vector.broadcast %sub3A_365 : i32 to vector<16xi32>
        %sub3A_367 = arith.subi %add3A_364, %sub3A_366 : vector<16xi32>
        tpu.vector_store_idx %arg6[%sub3A_367], %add3A_336 masked %eq3A_320 : memref<8320xi32, #tpu.memory_space<vmem>>[vector<16xi32>], vector<16xi32>, vector<16xi1>
        tpu.vector_store_idx %arg7[%sub3A_367], %and3A_323 masked %eq3A_320 : memref<8320xi32, #tpu.memory_space<vmem>>[vector<16xi32>], vector<16xi32>, vector<16xi1>
        %slice3A_368 = vector.extract_strided_slice %masked_cumsum3A_340 {offsets = [15], sizes = [1], strides = [1]} : vector<16xi32> to vector<1xi32>
        %squeeze3A_369 = vector.extract %slice3A_368[0] : i32 from vector<1xi32>
        %add3A_370 = arith.addi %add3A_362, %squeeze3A_369 : i32
        scf.yield %add3A_370 : i32
      }
      %scan3A_56 = arith.constant 128 : i32
      %add3A_57 = arith.constant 0 : i32
      %add3A_58 = arith.addi %scan3A_55, %add3A_57 : i32
      %add3A_59 = vector.broadcast %add3A_58 : i32 to vector<16xi32>
      %add3A_60 = arith.addi %add3A_59, %iota3A : vector<16xi32>
      tpu.vector_store_idx %arg6[%add3A_60], %broadcast_in_dim3A : memref<8320xi32, #tpu.memory_space<vmem>>[vector<16xi32>], vector<16xi32>,
      %add3A_61 = arith.constant 0 : i32
      %add3A_62 = arith.addi %scan3A_55, %add3A_61 : i32
      %add3A_63 = vector.broadcast %add3A_62 : i32 to vector<16xi32>
      %add3A_64 = arith.addi %add3A_63, %iota3A : vector<16xi32>
      tpu.vector_store_idx %arg7[%add3A_64], %broadcast_in_dim3A_10 : memref<8320xi32, #tpu.memory_space<vmem>>[vector<16xi32>], vector<16xi32>,
      %add3A_65 = arith.constant 16 : i32
      %add3A_66 = arith.addi %scan3A_55, %add3A_65 : i32
      %add3A_67 = vector.broadcast %add3A_66 : i32 to vector<16xi32>
      %add3A_68 = arith.addi %add3A_67, %iota3A : vector<16xi32>
      tpu.vector_store_idx %arg6[%add3A_68], %broadcast_in_dim3A : memref<8320xi32, #tpu.memory_space<vmem>>[vector<16xi32>], vector<16xi32>,
      %add3A_69 = arith.constant 16 : i32
      %add3A_70 = arith.addi %scan3A_55, %add3A_69 : i32
      %add3A_71 = vector.broadcast %add3A_70 : i32 to vector<16xi32>
      %add3A_72 = arith.addi %add3A_71, %iota3A : vector<16xi32>
      tpu.vector_store_idx %arg7[%add3A_72], %broadcast_in_dim3A_10 : memref<8320xi32, #tpu.memory_space<vmem>>[vector<16xi32>], vector<16xi32>,
      %add3A_73 = arith.constant 32 : i32
      %add3A_74 = arith.addi %scan3A_55, %add3A_73 : i32
      %add3A_75 = vector.broadcast %add3A_74 : i32 to vector<16xi32>
      %add3A_76 = arith.addi %add3A_75, %iota3A : vector<16xi32>
      tpu.vector_store_idx %arg6[%add3A_76], %broadcast_in_dim3A : memref<8320xi32, #tpu.memory_space<vmem>>[vector<16xi32>], vector<16xi32>,
      %add3A_77 = arith.constant 32 : i32
      %add3A_78 = arith.addi %scan3A_55, %add3A_77 : i32
      %add3A_79 = vector.broadcast %add3A_78 : i32 to vector<16xi32>
      %add3A_80 = arith.addi %add3A_79, %iota3A : vector<16xi32>
      tpu.vector_store_idx %arg7[%add3A_80], %broadcast_in_dim3A_10 : memref<8320xi32, #tpu.memory_space<vmem>>[vector<16xi32>], vector<16xi32>,
      %add3A_81 = arith.constant 48 : i32
      %add3A_82 = arith.addi %scan3A_55, %add3A_81 : i32
      %add3A_83 = vector.broadcast %add3A_82 : i32 to vector<16xi32>
      %add3A_84 = arith.addi %add3A_83, %iota3A : vector<16xi32>
      tpu.vector_store_idx %arg6[%add3A_84], %broadcast_in_dim3A : memref<8320xi32, #tpu.memory_space<vmem>>[vector<16xi32>], vector<16xi32>,
      %add3A_85 = arith.constant 48 : i32
      %add3A_86 = arith.addi %scan3A_55, %add3A_85 : i32
      %add3A_87 = vector.broadcast %add3A_86 : i32 to vector<16xi32>
      %add3A_88 = arith.addi %add3A_87, %iota3A : vector<16xi32>
      tpu.vector_store_idx %arg7[%add3A_88], %broadcast_in_dim3A_10 : memref<8320xi32, #tpu.memory_space<vmem>>[vector<16xi32>], vector<16xi32>,
      %add3A_89 = arith.constant 64 : i32
      %add3A_90 = arith.addi %scan3A_55, %add3A_89 : i32
      %add3A_91 = vector.broadcast %add3A_90 : i32 to vector<16xi32>
      %add3A_92 = arith.addi %add3A_91, %iota3A : vector<16xi32>
      tpu.vector_store_idx %arg6[%add3A_92], %broadcast_in_dim3A : memref<8320xi32, #tpu.memory_space<vmem>>[vector<16xi32>], vector<16xi32>,
      %add3A_93 = arith.constant 64 : i32
      %add3A_94 = arith.addi %scan3A_55, %add3A_93 : i32
      %add3A_95 = vector.broadcast %add3A_94 : i32 to vector<16xi32>
      %add3A_96 = arith.addi %add3A_95, %iota3A : vector<16xi32>
      tpu.vector_store_idx %arg7[%add3A_96], %broadcast_in_dim3A_10 : memref<8320xi32, #tpu.memory_space<vmem>>[vector<16xi32>], vector<16xi32>,
      %add3A_97 = arith.constant 80 : i32
      %add3A_98 = arith.addi %scan3A_55, %add3A_97 : i32
      %add3A_99 = vector.broadcast %add3A_98 : i32 to vector<16xi32>
      %add3A_100 = arith.addi %add3A_99, %iota3A : vector<16xi32>
      tpu.vector_store_idx %arg6[%add3A_100], %broadcast_in_dim3A : memref<8320xi32, #tpu.memory_space<vmem>>[vector<16xi32>], vector<16xi32>,
      %add3A_101 = arith.constant 80 : i32
      %add3A_102 = arith.addi %scan3A_55, %add3A_101 : i32
      %add3A_103 = vector.broadcast %add3A_102 : i32 to vector<16xi32>
      %add3A_104 = arith.addi %add3A_103, %iota3A : vector<16xi32>
      tpu.vector_store_idx %arg7[%add3A_104], %broadcast_in_dim3A_10 : memref<8320xi32, #tpu.memory_space<vmem>>[vector<16xi32>], vector<16xi32>,
      %add3A_105 = arith.constant 96 : i32
      %add3A_106 = arith.addi %scan3A_55, %add3A_105 : i32
      %add3A_107 = vector.broadcast %add3A_106 : i32 to vector<16xi32>
      %add3A_108 = arith.addi %add3A_107, %iota3A : vector<16xi32>
      tpu.vector_store_idx %arg6[%add3A_108], %broadcast_in_dim3A : memref<8320xi32, #tpu.memory_space<vmem>>[vector<16xi32>], vector<16xi32>,
      %add3A_109 = arith.constant 96 : i32
      %add3A_110 = arith.addi %scan3A_55, %add3A_109 : i32
      %add3A_111 = vector.broadcast %add3A_110 : i32 to vector<16xi32>
      %add3A_112 = arith.addi %add3A_111, %iota3A : vector<16xi32>
      tpu.vector_store_idx %arg7[%add3A_112], %broadcast_in_dim3A_10 : memref<8320xi32, #tpu.memory_space<vmem>>[vector<16xi32>], vector<16xi32>,
      %add3A_113 = arith.constant 112 : i32
      %add3A_114 = arith.addi %scan3A_55, %add3A_113 : i32
      %add3A_115 = vector.broadcast %add3A_114 : i32 to vector<16xi32>
      %add3A_116 = arith.addi %add3A_115, %iota3A : vector<16xi32>
      tpu.vector_store_idx %arg6[%add3A_116], %broadcast_in_dim3A : memref<8320xi32, #tpu.memory_space<vmem>>[vector<16xi32>], vector<16xi32>,
      %add3A_117 = arith.constant 112 : i32
      %add3A_118 = arith.addi %scan3A_55, %add3A_117 : i32
      %add3A_119 = vector.broadcast %add3A_118 : i32 to vector<16xi32>
      %add3A_120 = arith.addi %add3A_119, %iota3A : vector<16xi32>
      tpu.vector_store_idx %arg7[%add3A_120], %broadcast_in_dim3A_10 : memref<8320xi32, #tpu.memory_space<vmem>>[vector<16xi32>], vector<16xi32>,
      %add3A_121 = arith.constant 1 : i32
      %add3A_122 = arith.addi %add3A_121, %scan3A_43 : i32
      %gt3A = arith.constant 0 : i32
      %gt3A_123 = arith.cmpi sgt, %add3A_122, %gt3A : i32
      %convert_element_type3A = arith.extui %gt3A_123 : i1 to i32
      %cond3A = arith.constant 0 : i32
      %cond3A_124 = arith.cmpi ne, %convert_element_type3A, %cond3A : i32
      scf.if %cond3A_124 {
        %add3A_211 = arith.addi %mul3A_49, %mul3A_0 : i32
        %dma_wait3A_212 = arith.constant 1 : i32
        %dma_wait3A_213 = arith.constant 0 : i32
        %dma_wait3A_214 = tpu.memref_slice %arg4[%dma_wait3A_212, %add3A_211, %dma_wait3A_213] : memref<2x262144x128xf32, #tpu.memory_space<hbm>> -> memref<1x512x128xf32, #tpu.memory_space<hbm>>
        %dma_wait3A_215 = tpu.memref_squeeze %dma_wait3A_214 : memref<1x512x128xf32, #tpu.memory_space<hbm>> -> memref<512x128xf32, #tpu.memory_space<hbm>>
        %dma_wait3A_216 = arith.constant 0 : i32
        %dma_wait3A_217 = tpu.memref_slice %arg12[%mul3A_0, %dma_wait3A_216] : memref<8208x128xf32, #tpu.memory_space<vmem_shared>> -> memref<512x128xf32, #tpu.memory_space<vmem_shared>>
        tpu.wait_dma2 semaphore(%arg15 : memref<!tpu.dma_semaphore, #tpu.memory_space<semaphore_mem>>) src(%dma_wait3A_217 : memref<512x128xf32, #tpu.memory_space<vmem_shared>>) dst(%dma_wait3A_215 : memref<512x128xf32, #tpu.memory_space<hbm>>)
      } else {
      }
      %add3A_125 = arith.constant 0 : i32
      %add3A_126 = arith.addi %mul3A_0, %add3A_125 : i32
      %dma_start3A = arith.constant 0 : i32
      %dma_start3A_127 = tpu.memref_slice %arg12[%add3A_126, %dma_start3A] : memref<8208x128xf32, #tpu.memory_space<vmem_shared>> -> memref<128x128xf32, #tpu.memory_space<vmem_shared>>
      %dma_start3A_128 = arith.constant 0 : i32
      %dma_start3A_129 = tpu.memref_slice %arg12[%add3A_126, %dma_start3A_128] : memref<8208x128xf32, #tpu.memory_space<vmem_shared>> -> memref<128x128xf32, #tpu.memory_space<vmem_shared>>
      tpu.enqueue_dma source(%arg11 : memref<128x128xf32, #tpu.memory_space<vmem>>) target(%dma_start3A_129 : memref<128x128xf32, #tpu.memory_space<vmem_shared>>) target_semaphore(%arg13 : memref<!tpu.dma_semaphore, #tpu.memory_space<semaphore_mem>>)
      %add3A_130 = arith.constant 128 : i32
      %add3A_131 = arith.addi %mul3A_0, %add3A_130 : i32
      %dma_start3A_132 = arith.constant 0 : i32
      %dma_start3A_133 = tpu.memref_slice %arg12[%add3A_131, %dma_start3A_132] : memref<8208x128xf32, #tpu.memory_space<vmem_shared>> -> memref<128x128xf32, #tpu.memory_space<vmem_shared>>
      %dma_start3A_134 = arith.constant 0 : i32
      %dma_start3A_135 = tpu.memref_slice %arg12[%add3A_131, %dma_start3A_134] : memref<8208x128xf32, #tpu.memory_space<vmem_shared>> -> memref<128x128xf32, #tpu.memory_space<vmem_shared>>
      tpu.enqueue_dma source(%arg11 : memref<128x128xf32, #tpu.memory_space<vmem>>) target(%dma_start3A_135 : memref<128x128xf32, #tpu.memory_space<vmem_shared>>) target_semaphore(%arg13 : memref<!tpu.dma_semaphore, #tpu.memory_space<semaphore_mem>>)
      %add3A_136 = arith.constant 256 : i32
      %add3A_137 = arith.addi %mul3A_0, %add3A_136 : i32
      %dma_start3A_138 = arith.constant 0 : i32
      %dma_start3A_139 = tpu.memref_slice %arg12[%add3A_137, %dma_start3A_138] : memref<8208x128xf32, #tpu.memory_space<vmem_shared>> -> memref<128x128xf32, #tpu.memory_space<vmem_shared>>
      %dma_start3A_140 = arith.constant 0 : i32
      %dma_start3A_141 = tpu.memref_slice %arg12[%add3A_137, %dma_start3A_140] : memref<8208x128xf32, #tpu.memory_space<vmem_shared>> -> memref<128x128xf32, #tpu.memory_space<vmem_shared>>
      tpu.enqueue_dma source(%arg11 : memref<128x128xf32, #tpu.memory_space<vmem>>) target(%dma_start3A_141 : memref<128x128xf32, #tpu.memory_space<vmem_shared>>) target_semaphore(%arg13 : memref<!tpu.dma_semaphore, #tpu.memory_space<semaphore_mem>>)
      %add3A_142 = arith.constant 384 : i32
      %add3A_143 = arith.addi %mul3A_0, %add3A_142 : i32
      %dma_start3A_144 = arith.constant 0 : i32
      %dma_start3A_145 = tpu.memref_slice %arg12[%add3A_143, %dma_start3A_144] : memref<8208x128xf32, #tpu.memory_space<vmem_shared>> -> memref<128x128xf32, #tpu.memory_space<vmem_shared>>
      %dma_start3A_146 = arith.constant 0 : i32
      %dma_start3A_147 = tpu.memref_slice %arg12[%add3A_143, %dma_start3A_146] : memref<8208x128xf32, #tpu.memory_space<vmem_shared>> -> memref<128x128xf32, #tpu.memory_space<vmem_shared>>
      tpu.enqueue_dma source(%arg11 : memref<128x128xf32, #tpu.memory_space<vmem>>) target(%dma_start3A_147 : memref<128x128xf32, #tpu.memory_space<vmem_shared>>) target_semaphore(%arg13 : memref<!tpu.dma_semaphore, #tpu.memory_space<semaphore_mem>>)
      %add3A_148 = arith.constant 0 : i32
      %add3A_149 = arith.addi %mul3A_0, %add3A_148 : i32
      %dma_wait3A_150 = arith.constant 0 : i32
      %dma_wait3A_151 = tpu.memref_slice %arg12[%add3A_149, %dma_wait3A_150] : memref<8208x128xf32, #tpu.memory_space<vmem_shared>> -> memref<128x128xf32, #tpu.memory_space<vmem_shared>>
      %dma_wait3A_152 = arith.constant 0 : i32
      %dma_wait3A_153 = tpu.memref_slice %arg12[%add3A_149, %dma_wait3A_152] : memref<8208x128xf32, #tpu.memory_space<vmem_shared>> -> memref<128x128xf32, #tpu.memory_space<vmem_shared>>
      tpu.wait_dma2 semaphore(%arg13 : memref<!tpu.dma_semaphore, #tpu.memory_space<semaphore_mem>>) src(%arg11 : memref<128x128xf32, #tpu.memory_space<vmem>>) dst(%dma_wait3A_153 : memref<128x128xf32, #tpu.memory_space<vmem_shared>>)
      %add3A_154 = arith.constant 128 : i32
      %add3A_155 = arith.addi %mul3A_0, %add3A_154 : i32
      %dma_wait3A_156 = arith.constant 0 : i32
      %dma_wait3A_157 = tpu.memref_slice %arg12[%add3A_155, %dma_wait3A_156] : memref<8208x128xf32, #tpu.memory_space<vmem_shared>> -> memref<128x128xf32, #tpu.memory_space<vmem_shared>>
      %dma_wait3A_158 = arith.constant 0 : i32
      %dma_wait3A_159 = tpu.memref_slice %arg12[%add3A_155, %dma_wait3A_158] : memref<8208x128xf32, #tpu.memory_space<vmem_shared>> -> memref<128x128xf32, #tpu.memory_space<vmem_shared>>
      tpu.wait_dma2 semaphore(%arg13 : memref<!tpu.dma_semaphore, #tpu.memory_space<semaphore_mem>>) src(%arg11 : memref<128x128xf32, #tpu.memory_space<vmem>>) dst(%dma_wait3A_159 : memref<128x128xf32, #tpu.memory_space<vmem_shared>>)
      %add3A_160 = arith.constant 256 : i32
      %add3A_161 = arith.addi %mul3A_0, %add3A_160 : i32
      %dma_wait3A_162 = arith.constant 0 : i32
      %dma_wait3A_163 = tpu.memref_slice %arg12[%add3A_161, %dma_wait3A_162] : memref<8208x128xf32, #tpu.memory_space<vmem_shared>> -> memref<128x128xf32, #tpu.memory_space<vmem_shared>>
      %dma_wait3A_164 = arith.constant 0 : i32
      %dma_wait3A_165 = tpu.memref_slice %arg12[%add3A_161, %dma_wait3A_164] : memref<8208x128xf32, #tpu.memory_space<vmem_shared>> -> memref<128x128xf32, #tpu.memory_space<vmem_shared>>
      tpu.wait_dma2 semaphore(%arg13 : memref<!tpu.dma_semaphore, #tpu.memory_space<semaphore_mem>>) src(%arg11 : memref<128x128xf32, #tpu.memory_space<vmem>>) dst(%dma_wait3A_165 : memref<128x128xf32, #tpu.memory_space<vmem_shared>>)
      %add3A_166 = arith.constant 384 : i32
      %add3A_167 = arith.addi %mul3A_0, %add3A_166 : i32
      %dma_wait3A_168 = arith.constant 0 : i32
      %dma_wait3A_169 = tpu.memref_slice %arg12[%add3A_167, %dma_wait3A_168] : memref<8208x128xf32, #tpu.memory_space<vmem_shared>> -> memref<128x128xf32, #tpu.memory_space<vmem_shared>>
      %dma_wait3A_170 = arith.constant 0 : i32
      %dma_wait3A_171 = tpu.memref_slice %arg12[%add3A_167, %dma_wait3A_170] : memref<8208x128xf32, #tpu.memory_space<vmem_shared>> -> memref<128x128xf32, #tpu.memory_space<vmem_shared>>
      tpu.wait_dma2 semaphore(%arg13 : memref<!tpu.dma_semaphore, #tpu.memory_space<semaphore_mem>>) src(%arg11 : memref<128x128xf32, #tpu.memory_space<vmem>>) dst(%dma_wait3A_171 : memref<128x128xf32, #tpu.memory_space<vmem_shared>>)
      %barrier3A = arith.constant 0 : index
      tpu.barrier barrier_id(%barrier3A)
      %add3A_172 = arith.constant 127 : i32
      %add3A_173 = arith.addi %scan3A_55, %add3A_172 : i32
      %jit3A = arith.constant 128 : i32
      %div3A = arith.divsi %add3A_173, %jit3A : i32
      %sign3A = arith.constant 0 : i32
      %sign3A_174 = arith.cmpi sgt, %add3A_173, %sign3A : i32
      %sign3A_175 = arith.extui %sign3A_174 : i1 to i32
      %sign3A_176 = arith.constant 0 : i32
      %sign3A_177 = arith.cmpi slt, %add3A_173, %sign3A_176 : i32
      %sign3A_178 = arith.extui %sign3A_177 : i1 to i32
      %sign3A_179 = arith.subi %sign3A_175, %sign3A_178 : i32
      %sign3A_180 = arith.constant 0 : i32
      %sign3A_181 = arith.cmpi sgt, %jit3A, %sign3A_180 : i32
      %sign3A_182 = arith.extui %sign3A_181 : i1 to i32
      %sign3A_183 = arith.constant 0 : i32
      %sign3A_184 = arith.cmpi slt, %jit3A, %sign3A_183 : i32
      %sign3A_185 = arith.extui %sign3A_184 : i1 to i32
      %sign3A_186 = arith.subi %sign3A_182, %sign3A_185 : i32
      %ne3A = arith.cmpi ne, %sign3A_179, %sign3A_186 : i32
      %rem3A = arith.remsi %add3A_173, %jit3A : i32
      %ne3A_187 = arith.constant 0 : i32
      %ne3A_188 = arith.cmpi ne, %rem3A, %ne3A_187 : i32
      %and3A = arith.andi %ne3A, %ne3A_188 : i1
      %sub3A_189 = arith.constant 1 : i32
      %sub3A_190 = arith.subi %div3A, %sub3A_189 : i32
      %select_n3A = arith.select %and3A, %sub3A_190, %div3A : i32
      %while3A = arith.constant 0 : i32
      %while3A_191 = arith.constant 0 : i32
      %while3A_192 = arith.subi %select_n3A, %while3A : i32
      %while3A_193 = arith.addi %while3A, %while3A_192 : i32
      %while3A_194 = arith.constant 1 : i32
      %while3A_195 = arith.divsi %while3A_192, %while3A_194 : i32
      %while3A_196 = arith.muli %while3A_195, %while3A_194 : i32
      %while3A_197 = arith.addi %while3A, %while3A_196 : i32
      %while3A_198 = arith.constant 1 : i32
      %while3A_199 = scf.for %while3A_211 = %while3A to %while3A_197 step %while3A_198 iter_args(%while3A_212 = %while3A_191) -> (i32)  : i32 {
        %mul3A_213 = arith.constant 128 : i32
        %mul3A_214 = arith.muli %while3A_211, %mul3A_213 : i32
        %add3A_215 = arith.constant 0 : i32
        %add3A_216 = arith.addi %mul3A_214, %add3A_215 : i32
        %get3A = arith.index_cast %add3A_216 : i32 to index
        %get3A_217 = tpu.vector_load %arg7[%get3A] {strides = array<i32>} : memref<8320xi32, #tpu.memory_space<vmem>>, vector<16xi32>,
        %swap3A = arith.constant 0 : index
        %swap3A_218 = tpu.vector_load %arg9[%swap3A] {strides = array<i32>} : memref<128xi32, #tpu.memory_space<vmem>>, vector<16xi32>,
        tpu.vector_store %arg9[%swap3A], %get3A_217 {strides = array<i32>} : memref<128xi32, #tpu.memory_space<vmem>>, vector<16xi32>,
        %mul3A_219 = arith.constant 128 : i32
        %mul3A_220 = arith.muli %while3A_211, %mul3A_219 : i32
        %add3A_221 = arith.constant 16 : i32
        %add3A_222 = arith.addi %mul3A_220, %add3A_221 : i32
        %get3A_223 = arith.index_cast %add3A_222 : i32 to index
        %get3A_224 = tpu.vector_load %arg7[%get3A_223] {strides = array<i32>} : memref<8320xi32, #tpu.memory_space<vmem>>, vector<16xi32>,
        %swap3A_225 = arith.constant 16 : index
        %swap3A_226 = tpu.vector_load %arg9[%swap3A_225] {strides = array<i32>} : memref<128xi32, #tpu.memory_space<vmem>>, vector<16xi32>,
        tpu.vector_store %arg9[%swap3A_225], %get3A_224 {strides = array<i32>} : memref<128xi32, #tpu.memory_space<vmem>>, vector<16xi32>,
        %mul3A_227 = arith.constant 128 : i32
        %mul3A_228 = arith.muli %while3A_211, %mul3A_227 : i32
        %add3A_229 = arith.constant 32 : i32
        %add3A_230 = arith.addi %mul3A_228, %add3A_229 : i32
        %get3A_231 = arith.index_cast %add3A_230 : i32 to index
        %get3A_232 = tpu.vector_load %arg7[%get3A_231] {strides = array<i32>} : memref<8320xi32, #tpu.memory_space<vmem>>, vector<16xi32>,
        %swap3A_233 = arith.constant 32 : index
        %swap3A_234 = tpu.vector_load %arg9[%swap3A_233] {strides = array<i32>} : memref<128xi32, #tpu.memory_space<vmem>>, vector<16xi32>,
        tpu.vector_store %arg9[%swap3A_233], %get3A_232 {strides = array<i32>} : memref<128xi32, #tpu.memory_space<vmem>>, vector<16xi32>,
        %mul3A_235 = arith.constant 128 : i32
        %mul3A_236 = arith.muli %while3A_211, %mul3A_235 : i32
        %add3A_237 = arith.constant 48 : i32
        %add3A_238 = arith.addi %mul3A_236, %add3A_237 : i32
        %get3A_239 = arith.index_cast %add3A_238 : i32 to index
        %get3A_240 = tpu.vector_load %arg7[%get3A_239] {strides = array<i32>} : memref<8320xi32, #tpu.memory_space<vmem>>, vector<16xi32>,
        %swap3A_241 = arith.constant 48 : index
        %swap3A_242 = tpu.vector_load %arg9[%swap3A_241] {strides = array<i32>} : memref<128xi32, #tpu.memory_space<vmem>>, vector<16xi32>,
        tpu.vector_store %arg9[%swap3A_241], %get3A_240 {strides = array<i32>} : memref<128xi32, #tpu.memory_space<vmem>>, vector<16xi32>,
        %mul3A_243 = arith.constant 128 : i32
        %mul3A_244 = arith.muli %while3A_211, %mul3A_243 : i32
        %add3A_245 = arith.constant 64 : i32
        %add3A_246 = arith.addi %mul3A_244, %add3A_245 : i32
        %get3A_247 = arith.index_cast %add3A_246 : i32 to index
        %get3A_248 = tpu.vector_load %arg7[%get3A_247] {strides = array<i32>} : memref<8320xi32, #tpu.memory_space<vmem>>, vector<16xi32>,
        %swap3A_249 = arith.constant 64 : index
        %swap3A_250 = tpu.vector_load %arg9[%swap3A_249] {strides = array<i32>} : memref<128xi32, #tpu.memory_space<vmem>>, vector<16xi32>,
        tpu.vector_store %arg9[%swap3A_249], %get3A_248 {strides = array<i32>} : memref<128xi32, #tpu.memory_space<vmem>>, vector<16xi32>,
        %mul3A_251 = arith.constant 128 : i32
        %mul3A_252 = arith.muli %while3A_211, %mul3A_251 : i32
        %add3A_253 = arith.constant 80 : i32
        %add3A_254 = arith.addi %mul3A_252, %add3A_253 : i32
        %get3A_255 = arith.index_cast %add3A_254 : i32 to index
        %get3A_256 = tpu.vector_load %arg7[%get3A_255] {strides = array<i32>} : memref<8320xi32, #tpu.memory_space<vmem>>, vector<16xi32>,
        %swap3A_257 = arith.constant 80 : index
        %swap3A_258 = tpu.vector_load %arg9[%swap3A_257] {strides = array<i32>} : memref<128xi32, #tpu.memory_space<vmem>>, vector<16xi32>,
        tpu.vector_store %arg9[%swap3A_257], %get3A_256 {strides = array<i32>} : memref<128xi32, #tpu.memory_space<vmem>>, vector<16xi32>,
        %mul3A_259 = arith.constant 128 : i32
        %mul3A_260 = arith.muli %while3A_211, %mul3A_259 : i32
        %add3A_261 = arith.constant 96 : i32
        %add3A_262 = arith.addi %mul3A_260, %add3A_261 : i32
        %get3A_263 = arith.index_cast %add3A_262 : i32 to index
        %get3A_264 = tpu.vector_load %arg7[%get3A_263] {strides = array<i32>} : memref<8320xi32, #tpu.memory_space<vmem>>, vector<16xi32>,
        %swap3A_265 = arith.constant 96 : index
        %swap3A_266 = tpu.vector_load %arg9[%swap3A_265] {strides = array<i32>} : memref<128xi32, #tpu.memory_space<vmem>>, vector<16xi32>,
        tpu.vector_store %arg9[%swap3A_265], %get3A_264 {strides = array<i32>} : memref<128xi32, #tpu.memory_space<vmem>>, vector<16xi32>,
        %mul3A_267 = arith.constant 128 : i32
        %mul3A_268 = arith.muli %while3A_211, %mul3A_267 : i32
        %add3A_269 = arith.constant 112 : i32
        %add3A_270 = arith.addi %mul3A_268, %add3A_269 : i32
        %get3A_271 = arith.index_cast %add3A_270 : i32 to index
        %get3A_272 = tpu.vector_load %arg7[%get3A_271] {strides = array<i32>} : memref<8320xi32, #tpu.memory_space<vmem>>, vector<16xi32>,
        %swap3A_273 = arith.constant 112 : index
        %swap3A_274 = tpu.vector_load %arg9[%swap3A_273] {strides = array<i32>} : memref<128xi32, #tpu.memory_space<vmem>>, vector<16xi32>,
        tpu.vector_store %arg9[%swap3A_273], %get3A_272 {strides = array<i32>} : memref<128xi32, #tpu.memory_space<vmem>>, vector<16xi32>,
        %mul3A_275 = arith.constant 128 : i32
        %mul3A_276 = arith.muli %while3A_211, %mul3A_275 : i32
        %dma_start3A_277 = tpu.memref_slice %arg6[%mul3A_276] : memref<8320xi32, #tpu.memory_space<vmem>> -> memref<128xi32, #tpu.memory_space<vmem>>
        %dma_start3A_278 = arith.constant 0 : i32
        %dma_start3A_279 = arith.constant 0 : i32
        %dma_start3A_280 = tpu.memref_slice %arg3[%dma_start3A_278, %dma_start3A_279] : memref<262144x128xf32, #tpu.memory_space<hbm>> -> memref<262144x128xf32, #tpu.memory_space<hbm>>
        tpu.enqueue_indirect_dma source(%dma_start3A_280 : memref<262144x128xf32, #tpu.memory_space<hbm>>) target(%arg10 : memref<128x128xf32, #tpu.memory_space<vmem>>) offsets(%dma_start3A_277 : memref<128xi32, #tpu.memory_space<vmem>>) semaphore(%arg14 : memref<!tpu.dma_semaphore, #tpu.memory_space<semaphore_mem>>)
        %dma_wait3A_281 = tpu.memref_slice %arg6[%mul3A_276] : memref<8320xi32, #tpu.memory_space<vmem>> -> memref<128xi32, #tpu.memory_space<vmem>>
        %dma_wait3A_282 = arith.constant 0 : i32
        %dma_wait3A_283 = arith.constant 0 : i32
        %dma_wait3A_284 = tpu.memref_slice %arg3[%dma_wait3A_282, %dma_wait3A_283] : memref<262144x128xf32, #tpu.memory_space<hbm>> -> memref<262144x128xf32, #tpu.memory_space<hbm>>
        tpu.wait_indirect_dma semaphore(%arg14 : memref<!tpu.dma_semaphore, #tpu.memory_space<semaphore_mem>>) src(%dma_wait3A_284 : memref<262144x128xf32, #tpu.memory_space<hbm>>) dst(%arg10 : memref<128x128xf32, #tpu.memory_space<vmem>>)
        "tpu.region"() ({
          %run_scoped3A_286 = tpu.sem_alloc : memref<!tpu.dma_semaphore, #tpu.memory_space<semaphore_mem>>
          %dma_start3A_287 = arith.constant 0 : i32
          %dma_start3A_288 = arith.constant 0 : i32
          %dma_start3A_289 = tpu.memref_slice %arg12[%dma_start3A_287, %dma_start3A_288] : memref<8208x128xf32, #tpu.memory_space<vmem_shared>> -> memref<8208x128xf32, #tpu.memory_space<vmem_shared>>
          tpu.enqueue_indirect_dma source(%arg10 : memref<128x128xf32, #tpu.memory_space<vmem>>) target(%dma_start3A_289 : memref<8208x128xf32, #tpu.memory_space<vmem_shared>>) offsets(%arg9 : memref<128xi32, #tpu.memory_space<vmem>>) semaphore(%run_scoped3A_286 : memref<!tpu.dma_semaphore, #tpu.memory_space<semaphore_mem>>) {add = true}
          %dma_wait3A_290 = arith.constant 0 : i32
          %dma_wait3A_291 = arith.constant 0 : i32
          %dma_wait3A_292 = tpu.memref_slice %arg12[%dma_wait3A_290, %dma_wait3A_291] : memref<8208x128xf32, #tpu.memory_space<vmem_shared>> -> memref<8208x128xf32, #tpu.memory_space<vmem_shared>>
          tpu.wait_indirect_dma semaphore(%run_scoped3A_286 : memref<!tpu.dma_semaphore, #tpu.memory_space<semaphore_mem>>) src(%arg10 : memref<128x128xf32, #tpu.memory_space<vmem>>) dst(%dma_wait3A_292 : memref<8208x128xf32, #tpu.memory_space<vmem_shared>>)
          tpu.yield
        }) : () -> ()
        %while3A_285 = arith.constant 0 : i32
        scf.yield %while3A_285 : i32
      }
      %while3A_200 = arith.constant 1 : i32
      %while3A_201 = scf.for %while3A_211 = %while3A_197 to %while3A_193 step %while3A_200 iter_args(%while3A_212 = %while3A_199) -> (i32)  : i32 {
        %mul3A_213 = arith.constant 128 : i32
        %mul3A_214 = arith.muli %while3A_211, %mul3A_213 : i32
        %add3A_215 = arith.constant 0 : i32
        %add3A_216 = arith.addi %mul3A_214, %add3A_215 : i32
        %get3A = arith.index_cast %add3A_216 : i32 to index
        %get3A_217 = tpu.vector_load %arg7[%get3A] {strides = array<i32>} : memref<8320xi32, #tpu.memory_space<vmem>>, vector<16xi32>,
        %swap3A = arith.constant 0 : index
        %swap3A_218 = tpu.vector_load %arg9[%swap3A] {strides = array<i32>} : memref<128xi32, #tpu.memory_space<vmem>>, vector<16xi32>,
        tpu.vector_store %arg9[%swap3A], %get3A_217 {strides = array<i32>} : memref<128xi32, #tpu.memory_space<vmem>>, vector<16xi32>,
        %mul3A_219 = arith.constant 128 : i32
        %mul3A_220 = arith.muli %while3A_211, %mul3A_219 : i32
        %add3A_221 = arith.constant 16 : i32
        %add3A_222 = arith.addi %mul3A_220, %add3A_221 : i32
        %get3A_223 = arith.index_cast %add3A_222 : i32 to index
        %get3A_224 = tpu.vector_load %arg7[%get3A_223] {strides = array<i32>} : memref<8320xi32, #tpu.memory_space<vmem>>, vector<16xi32>,
        %swap3A_225 = arith.constant 16 : index
        %swap3A_226 = tpu.vector_load %arg9[%swap3A_225] {strides = array<i32>} : memref<128xi32, #tpu.memory_space<vmem>>, vector<16xi32>,
        tpu.vector_store %arg9[%swap3A_225], %get3A_224 {strides = array<i32>} : memref<128xi32, #tpu.memory_space<vmem>>, vector<16xi32>,
        %mul3A_227 = arith.constant 128 : i32
        %mul3A_228 = arith.muli %while3A_211, %mul3A_227 : i32
        %add3A_229 = arith.constant 32 : i32
        %add3A_230 = arith.addi %mul3A_228, %add3A_229 : i32
        %get3A_231 = arith.index_cast %add3A_230 : i32 to index
        %get3A_232 = tpu.vector_load %arg7[%get3A_231] {strides = array<i32>} : memref<8320xi32, #tpu.memory_space<vmem>>, vector<16xi32>,
        %swap3A_233 = arith.constant 32 : index
        %swap3A_234 = tpu.vector_load %arg9[%swap3A_233] {strides = array<i32>} : memref<128xi32, #tpu.memory_space<vmem>>, vector<16xi32>,
        tpu.vector_store %arg9[%swap3A_233], %get3A_232 {strides = array<i32>} : memref<128xi32, #tpu.memory_space<vmem>>, vector<16xi32>,
        %mul3A_235 = arith.constant 128 : i32
        %mul3A_236 = arith.muli %while3A_211, %mul3A_235 : i32
        %add3A_237 = arith.constant 48 : i32
        %add3A_238 = arith.addi %mul3A_236, %add3A_237 : i32
        %get3A_239 = arith.index_cast %add3A_238 : i32 to index
        %get3A_240 = tpu.vector_load %arg7[%get3A_239] {strides = array<i32>} : memref<8320xi32, #tpu.memory_space<vmem>>, vector<16xi32>,
        %swap3A_241 = arith.constant 48 : index
        %swap3A_242 = tpu.vector_load %arg9[%swap3A_241] {strides = array<i32>} : memref<128xi32, #tpu.memory_space<vmem>>, vector<16xi32>,
        tpu.vector_store %arg9[%swap3A_241], %get3A_240 {strides = array<i32>} : memref<128xi32, #tpu.memory_space<vmem>>, vector<16xi32>,
        %mul3A_243 = arith.constant 128 : i32
        %mul3A_244 = arith.muli %while3A_211, %mul3A_243 : i32
        %add3A_245 = arith.constant 64 : i32
        %add3A_246 = arith.addi %mul3A_244, %add3A_245 : i32
        %get3A_247 = arith.index_cast %add3A_246 : i32 to index
        %get3A_248 = tpu.vector_load %arg7[%get3A_247] {strides = array<i32>} : memref<8320xi32, #tpu.memory_space<vmem>>, vector<16xi32>,
        %swap3A_249 = arith.constant 64 : index
        %swap3A_250 = tpu.vector_load %arg9[%swap3A_249] {strides = array<i32>} : memref<128xi32, #tpu.memory_space<vmem>>, vector<16xi32>,
        tpu.vector_store %arg9[%swap3A_249], %get3A_248 {strides = array<i32>} : memref<128xi32, #tpu.memory_space<vmem>>, vector<16xi32>,
        %mul3A_251 = arith.constant 128 : i32
        %mul3A_252 = arith.muli %while3A_211, %mul3A_251 : i32
        %add3A_253 = arith.constant 80 : i32
        %add3A_254 = arith.addi %mul3A_252, %add3A_253 : i32
        %get3A_255 = arith.index_cast %add3A_254 : i32 to index
        %get3A_256 = tpu.vector_load %arg7[%get3A_255] {strides = array<i32>} : memref<8320xi32, #tpu.memory_space<vmem>>, vector<16xi32>,
        %swap3A_257 = arith.constant 80 : index
        %swap3A_258 = tpu.vector_load %arg9[%swap3A_257] {strides = array<i32>} : memref<128xi32, #tpu.memory_space<vmem>>, vector<16xi32>,
        tpu.vector_store %arg9[%swap3A_257], %get3A_256 {strides = array<i32>} : memref<128xi32, #tpu.memory_space<vmem>>, vector<16xi32>,
        %mul3A_259 = arith.constant 128 : i32
        %mul3A_260 = arith.muli %while3A_211, %mul3A_259 : i32
        %add3A_261 = arith.constant 96 : i32
        %add3A_262 = arith.addi %mul3A_260, %add3A_261 : i32
        %get3A_263 = arith.index_cast %add3A_262 : i32 to index
        %get3A_264 = tpu.vector_load %arg7[%get3A_263] {strides = array<i32>} : memref<8320xi32, #tpu.memory_space<vmem>>, vector<16xi32>,
        %swap3A_265 = arith.constant 96 : index
        %swap3A_266 = tpu.vector_load %arg9[%swap3A_265] {strides = array<i32>} : memref<128xi32, #tpu.memory_space<vmem>>, vector<16xi32>,
        tpu.vector_store %arg9[%swap3A_265], %get3A_264 {strides = array<i32>} : memref<128xi32, #tpu.memory_space<vmem>>, vector<16xi32>,
        %mul3A_267 = arith.constant 128 : i32
        %mul3A_268 = arith.muli %while3A_211, %mul3A_267 : i32
        %add3A_269 = arith.constant 112 : i32
        %add3A_270 = arith.addi %mul3A_268, %add3A_269 : i32
        %get3A_271 = arith.index_cast %add3A_270 : i32 to index
        %get3A_272 = tpu.vector_load %arg7[%get3A_271] {strides = array<i32>} : memref<8320xi32, #tpu.memory_space<vmem>>, vector<16xi32>,
        %swap3A_273 = arith.constant 112 : index
        %swap3A_274 = tpu.vector_load %arg9[%swap3A_273] {strides = array<i32>} : memref<128xi32, #tpu.memory_space<vmem>>, vector<16xi32>,
        tpu.vector_store %arg9[%swap3A_273], %get3A_272 {strides = array<i32>} : memref<128xi32, #tpu.memory_space<vmem>>, vector<16xi32>,
        %mul3A_275 = arith.constant 128 : i32
        %mul3A_276 = arith.muli %while3A_211, %mul3A_275 : i32
        %dma_start3A_277 = tpu.memref_slice %arg6[%mul3A_276] : memref<8320xi32, #tpu.memory_space<vmem>> -> memref<128xi32, #tpu.memory_space<vmem>>
        %dma_start3A_278 = arith.constant 0 : i32
        %dma_start3A_279 = arith.constant 0 : i32
        %dma_start3A_280 = tpu.memref_slice %arg3[%dma_start3A_278, %dma_start3A_279] : memref<262144x128xf32, #tpu.memory_space<hbm>> -> memref<262144x128xf32, #tpu.memory_space<hbm>>
        tpu.enqueue_indirect_dma source(%dma_start3A_280 : memref<262144x128xf32, #tpu.memory_space<hbm>>) target(%arg10 : memref<128x128xf32, #tpu.memory_space<vmem>>) offsets(%dma_start3A_277 : memref<128xi32, #tpu.memory_space<vmem>>) semaphore(%arg14 : memref<!tpu.dma_semaphore, #tpu.memory_space<semaphore_mem>>)
        %dma_wait3A_281 = tpu.memref_slice %arg6[%mul3A_276] : memref<8320xi32, #tpu.memory_space<vmem>> -> memref<128xi32, #tpu.memory_space<vmem>>
        %dma_wait3A_282 = arith.constant 0 : i32
        %dma_wait3A_283 = arith.constant 0 : i32
        %dma_wait3A_284 = tpu.memref_slice %arg3[%dma_wait3A_282, %dma_wait3A_283] : memref<262144x128xf32, #tpu.memory_space<hbm>> -> memref<262144x128xf32, #tpu.memory_space<hbm>>
        tpu.wait_indirect_dma semaphore(%arg14 : memref<!tpu.dma_semaphore, #tpu.memory_space<semaphore_mem>>) src(%dma_wait3A_284 : memref<262144x128xf32, #tpu.memory_space<hbm>>) dst(%arg10 : memref<128x128xf32, #tpu.memory_space<vmem>>)
        "tpu.region"() ({
          %run_scoped3A_286 = tpu.sem_alloc : memref<!tpu.dma_semaphore, #tpu.memory_space<semaphore_mem>>
          %dma_start3A_287 = arith.constant 0 : i32
          %dma_start3A_288 = arith.constant 0 : i32
          %dma_start3A_289 = tpu.memref_slice %arg12[%dma_start3A_287, %dma_start3A_288] : memref<8208x128xf32, #tpu.memory_space<vmem_shared>> -> memref<8208x128xf32, #tpu.memory_space<vmem_shared>>
          tpu.enqueue_indirect_dma source(%arg10 : memref<128x128xf32, #tpu.memory_space<vmem>>) target(%dma_start3A_289 : memref<8208x128xf32, #tpu.memory_space<vmem_shared>>) offsets(%arg9 : memref<128xi32, #tpu.memory_space<vmem>>) semaphore(%run_scoped3A_286 : memref<!tpu.dma_semaphore, #tpu.memory_space<semaphore_mem>>) {add = true}
          %dma_wait3A_290 = arith.constant 0 : i32
          %dma_wait3A_291 = arith.constant 0 : i32
          %dma_wait3A_292 = tpu.memref_slice %arg12[%dma_wait3A_290, %dma_wait3A_291] : memref<8208x128xf32, #tpu.memory_space<vmem_shared>> -> memref<8208x128xf32, #tpu.memory_space<vmem_shared>>
          tpu.wait_indirect_dma semaphore(%run_scoped3A_286 : memref<!tpu.dma_semaphore, #tpu.memory_space<semaphore_mem>>) src(%arg10 : memref<128x128xf32, #tpu.memory_space<vmem>>) dst(%dma_wait3A_292 : memref<8208x128xf32, #tpu.memory_space<vmem_shared>>)
          tpu.yield
        }) : () -> ()
        %while3A_285 = arith.constant 0 : i32
        scf.yield %while3A_285 : i32
      }
      %barrier3A_202 = arith.constant 0 : index
      tpu.barrier barrier_id(%barrier3A_202)
      %add3A_203 = arith.addi %mul3A_49, %mul3A_0 : i32
      %dma_start3A_204 = arith.constant 1 : i32
      %dma_start3A_205 = arith.constant 0 : i32
      %dma_start3A_206 = tpu.memref_slice %arg4[%dma_start3A_204, %add3A_203, %dma_start3A_205] : memref<2x262144x128xf32, #tpu.memory_space<hbm>> -> memref<1x512x128xf32, #tpu.memory_space<hbm>>
      %dma_start3A_207 = tpu.memref_squeeze %dma_start3A_206 : memref<1x512x128xf32, #tpu.memory_space<hbm>> -> memref<512x128xf32, #tpu.memory_space<hbm>>
      %dma_start3A_208 = arith.constant 0 : i32
      %dma_start3A_209 = tpu.memref_slice %arg12[%mul3A_0, %dma_start3A_208] : memref<8208x128xf32, #tpu.memory_space<vmem_shared>> -> memref<512x128xf32, #tpu.memory_space<vmem_shared>>
      tpu.enqueue_dma source(%dma_start3A_209 : memref<512x128xf32, #tpu.memory_space<vmem_shared>>) target(%dma_start3A_207 : memref<512x128xf32, #tpu.memory_space<hbm>>) target_semaphore(%arg15 : memref<!tpu.dma_semaphore, #tpu.memory_space<semaphore_mem>>)
      %scan3A_210 = arith.constant 0 : i32
      scf.yield %scan3A_210 : i32
    }
    %scan3A_29 = arith.constant 16 : i32
    %mul3A_30 = arith.constant 16 : i32
    %mul3A_31 = arith.muli %arg0, %mul3A_30 : i32
    %add3A_32 = arith.constant 16 : i32
    %add3A_33 = arith.addi %mul3A_31, %add3A_32 : i32
    %sub3A = arith.constant 1 : i32
    %sub3A_34 = arith.subi %add3A_33, %sub3A : i32
    %mul3A_35 = arith.constant 8192 : i32
    %mul3A_36 = arith.muli %sub3A_34, %mul3A_35 : i32
    %add3A_37 = arith.addi %mul3A_36, %mul3A_0 : i32
    %dma_wait3A = arith.constant 1 : i32
    %dma_wait3A_38 = arith.constant 0 : i32
    %dma_wait3A_39 = tpu.memref_slice %arg4[%dma_wait3A, %add3A_37, %dma_wait3A_38] : memref<2x262144x128xf32, #tpu.memory_space<hbm>> -> memref<1x512x128xf32, #tpu.memory_space<hbm>>
    %dma_wait3A_40 = tpu.memref_squeeze %dma_wait3A_39 : memref<1x512x128xf32, #tpu.memory_space<hbm>> -> memref<512x128xf32, #tpu.memory_space<hbm>>
    %dma_wait3A_41 = arith.constant 0 : i32
    %dma_wait3A_42 = tpu.memref_slice %arg12[%mul3A_0, %dma_wait3A_41] : memref<8208x128xf32, #tpu.memory_space<vmem_shared>> -> memref<512x128xf32, #tpu.memory_space<vmem_shared>>
    tpu.wait_dma2 semaphore(%arg15 : memref<!tpu.dma_semaphore, #tpu.memory_space<semaphore_mem>>) src(%dma_wait3A_42 : memref<512x128xf32, #tpu.memory_space<vmem_shared>>) dst(%dma_wait3A_40 : memref<512x128xf32, #tpu.memory_space<hbm>>)
    return
  }
}

module attributes {stable_mosaic.version = 14 : i64} {
  func.func @_table_body(%arg0: i32, %arg1: i32, %arg2: memref<1x64x512xf32, #tpu.memory_space<vmem>>, %arg3: memref<512x128xf32, #tpu.memory_space<vmem>>) attributes {dimension_semantics = [#tpu.dimension_semantics<arbitrary>, #tpu.dimension_semantics<arbitrary>], iteration_bounds = array<i64: 2, 256>, scalar_prefetch = 0 : i64, scratch_operands = 0 : i64, tpu.core_type = #tpu.core_type<tc>, window_params = [{transform_indices = @transform_0, window_bounds = array<i64: 1, 64, 512>}, {transform_indices = @transform_1, window_bounds = array<i64: 512, 128>}]} {
    %get3A = arith.constant 0 : index
    %get3A_0 = arith.constant 0 : index
    %get3A_1 = arith.constant 0 : index
    %get3A_2 = vector.load %arg2[%get3A, %get3A_0, %get3A_1] : memref<1x64x512xf32, #tpu.memory_space<vmem>>, vector<1x64x512xf32>
    %get3A_3 = vector.shape_cast %get3A_2 : vector<1x64x512xf32> to vector<64x512xf32>
    %transpose3A = tpu.transpose %get3A_3, [1, 0] : vector<64x512xf32> -> vector<512x64xf32>
    %broadcast_in_dim3A = arith.constant 1.000000e+00 : f32
    %broadcast_in_dim3A_4 = vector.broadcast %broadcast_in_dim3A : f32 to vector<512x1xf32>
    %broadcast_in_dim3A_5 = arith.constant 0.000000e+00 : f32
    %broadcast_in_dim3A_6 = vector.broadcast %broadcast_in_dim3A_5 : f32 to vector<512x63xf32>
    %concatenate3A = tpu.concatenate %transpose3A, %broadcast_in_dim3A_4, %broadcast_in_dim3A_6 in 1 : vector<512x64xf32>, vector<512x1xf32>, vector<512x63xf32> -> vector<512x128xf32>
    %swap3A = arith.constant 0 : index
    %swap3A_7 = arith.constant 0 : index
    %swap3A_8 = vector.load %arg3[%swap3A, %swap3A_7] : memref<512x128xf32, #tpu.memory_space<vmem>>, vector<512x128xf32>
    tpu.vector_store %arg3[%swap3A, %swap3A_7], %concatenate3A {strides = array<i32>} : memref<512x128xf32, #tpu.memory_space<vmem>>, vector<512x128xf32>,
    return
  }
  func.func @transform_0(%arg0: i32, %arg1: i32) -> (i32, i32, i32) {
    %c0_i32 = arith.constant 0 : i32
    %c0_i32_0 = arith.constant 0 : i32
    return %arg0, %c0_i32, %arg1 : i32, i32, i32
  }
  func.func @transform_1(%arg0: i32, %arg1: i32) -> (i32, i32) {
    %mul3A = arith.constant 256 : i32
    %mul3A_0 = arith.muli %arg0, %mul3A : i32
    %add3A = arith.addi %mul3A_0, %arg1 : i32
    %c0_i32 = arith.constant 0 : i32
    %c0_i32_1 = arith.constant 0 : i32
    return %add3A, %c0_i32 : i32, i32
  }
}

module attributes {stable_mosaic.version = 14 : i64} {
  func.func @_idx_body(%arg0: i32, %arg1: memref<1x2x64x2048xf32, #tpu.memory_space<vmem>>, %arg2: memref<1x64x2048xi32, #tpu.memory_space<vmem>>, %arg3: memref<1x64x2048xi32, #tpu.memory_space<vmem>>) attributes {dimension_semantics = [#tpu.dimension_semantics<arbitrary>], iteration_bounds = array<i64: 2>, scalar_prefetch = 0 : i64, scratch_operands = 0 : i64, tpu.core_type = #tpu.core_type<tc>, window_params = [{transform_indices = @transform_0, window_bounds = array<i64: 1, 2, 64, 2048>}, {transform_indices = @transform_1, window_bounds = array<i64: 1, 64, 2048>}, {transform_indices = @transform_2, window_bounds = array<i64: 1, 64, 2048>}]} {
    %get3A = arith.constant 0 : index
    %get3A_0 = arith.constant 0 : index
    %get3A_1 = arith.constant 0 : index
    %get3A_2 = arith.constant 0 : index
    %get3A_3 = vector.load %arg1[%get3A, %get3A_0, %get3A_1, %get3A_2] : memref<1x2x64x2048xf32, #tpu.memory_space<vmem>>, vector<1x1x64x2048xf32>
    %get3A_4 = vector.shape_cast %get3A_3 : vector<1x1x64x2048xf32> to vector<64x2048xf32>
    %get3A_5 = arith.constant 0 : index
    %get3A_6 = arith.constant 1 : index
    %get3A_7 = arith.constant 0 : index
    %get3A_8 = arith.constant 0 : index
    %get3A_9 = vector.load %arg1[%get3A_5, %get3A_6, %get3A_7, %get3A_8] : memref<1x2x64x2048xf32, #tpu.memory_space<vmem>>, vector<1x1x64x2048xf32>
    %get3A_10 = vector.shape_cast %get3A_9 : vector<1x1x64x2048xf32> to vector<64x2048xf32>
    %get3A_11 = arith.constant 0 : index
    %get3A_12 = arith.constant 0 : index
    %get3A_13 = arith.constant 0 : index
    %get3A_14 = vector.load %arg2[%get3A_11, %get3A_12, %get3A_13] : memref<1x64x2048xi32, #tpu.memory_space<vmem>>, vector<1x64x2048xi32>
    %get3A_15 = vector.shape_cast %get3A_14 : vector<1x64x2048xi32> to vector<64x2048xi32>
    %sub3A = arith.constant -5.120000e+01 : f32
    %sub3A_16 = vector.broadcast %sub3A : f32 to vector<64x2048xf32>
    %sub3A_17 = arith.subf %get3A_4, %sub3A_16 : vector<64x2048xf32>
    %div3A = arith.constant 2.000000e-01 : f32
    %div3A_18 = vector.broadcast %div3A : f32 to vector<64x2048xf32>
    %div3A_19 = arith.divf %sub3A_17, %div3A_18 : vector<64x2048xf32>
    %floor3A = math.floor %div3A_19 : vector<64x2048xf32>
    %convert_element_type3A = arith.fptosi %floor3A : vector<64x2048xf32> to vector<64x2048xi32>
    %sub3A_20 = arith.constant -5.120000e+01 : f32
    %sub3A_21 = vector.broadcast %sub3A_20 : f32 to vector<64x2048xf32>
    %sub3A_22 = arith.subf %get3A_10, %sub3A_21 : vector<64x2048xf32>
    %div3A_23 = arith.constant 2.000000e-01 : f32
    %div3A_24 = vector.broadcast %div3A_23 : f32 to vector<64x2048xf32>
    %div3A_25 = arith.divf %sub3A_22, %div3A_24 : vector<64x2048xf32>
    %floor3A_26 = math.floor %div3A_25 : vector<64x2048xf32>
    %convert_element_type3A_27 = arith.fptosi %floor3A_26 : vector<64x2048xf32> to vector<64x2048xi32>
    %gt3A = arith.constant 0 : i32
    %gt3A_28 = vector.broadcast %gt3A : i32 to vector<64x2048xi32>
    %gt3A_29 = arith.cmpi sgt, %get3A_15, %gt3A_28 : vector<64x2048xi32>
    %ge3A = arith.constant 0 : i32
    %ge3A_30 = vector.broadcast %ge3A : i32 to vector<64x2048xi32>
    %ge3A_31 = arith.cmpi sge, %convert_element_type3A, %ge3A_30 : vector<64x2048xi32>
    %and3A = arith.andi %gt3A_29, %ge3A_31 : vector<64x2048xi1>
    %lt3A = arith.constant 512 : i32
    %lt3A_32 = vector.broadcast %lt3A : i32 to vector<64x2048xi32>
    %lt3A_33 = arith.cmpi slt, %convert_element_type3A, %lt3A_32 : vector<64x2048xi32>
    %and3A_34 = arith.andi %and3A, %lt3A_33 : vector<64x2048xi1>
    %ge3A_35 = arith.constant 0 : i32
    %ge3A_36 = vector.broadcast %ge3A_35 : i32 to vector<64x2048xi32>
    %ge3A_37 = arith.cmpi sge, %convert_element_type3A_27, %ge3A_36 : vector<64x2048xi32>
    %and3A_38 = arith.andi %and3A_34, %ge3A_37 : vector<64x2048xi1>
    %lt3A_39 = arith.constant 512 : i32
    %lt3A_40 = vector.broadcast %lt3A_39 : i32 to vector<64x2048xi32>
    %lt3A_41 = arith.cmpi slt, %convert_element_type3A_27, %lt3A_40 : vector<64x2048xi32>
    %and3A_42 = arith.andi %and3A_38, %lt3A_41 : vector<64x2048xi1>
    %jit3A = arith.constant 0 : i32
    %jit3A_43 = arith.constant 511 : i32
    %max3A = vector.broadcast %jit3A : i32 to vector<64x2048xi32>
    %max3A_44 = arith.maxsi %max3A, %convert_element_type3A_27 : vector<64x2048xi32>
    %min3A = vector.broadcast %jit3A_43 : i32 to vector<64x2048xi32>
    %min3A_45 = arith.minsi %min3A, %max3A_44 : vector<64x2048xi32>
    %mul3A = arith.constant 512 : i32
    %mul3A_46 = vector.broadcast %mul3A : i32 to vector<64x2048xi32>
    %mul3A_47 = arith.muli %min3A_45, %mul3A_46 : vector<64x2048xi32>
    %jit3A_48 = arith.constant 0 : i32
    %jit3A_49 = arith.constant 511 : i32
    %max3A_50 = vector.broadcast %jit3A_48 : i32 to vector<64x2048xi32>
    %max3A_51 = arith.maxsi %max3A_50, %convert_element_type3A : vector<64x2048xi32>
    %min3A_52 = vector.broadcast %jit3A_49 : i32 to vector<64x2048xi32>
    %min3A_53 = arith.minsi %min3A_52, %max3A_51 : vector<64x2048xi32>
    %add3A = arith.addi %mul3A_47, %min3A_53 : vector<64x2048xi32>
    %jit3A_54 = arith.constant 262144 : i32
    %broadcast_in_dim3A = vector.broadcast %jit3A_54 : i32 to vector<64x2048xi32>
    %select_n3A = arith.select %and3A_42, %add3A, %broadcast_in_dim3A : vector<64x2048xi1>, vector<64x2048xi32>
    %swap3A = arith.constant 0 : index
    %swap3A_55 = arith.constant 0 : index
    %swap3A_56 = arith.constant 0 : index
    %swap3A_57 = vector.load %arg3[%swap3A, %swap3A_55, %swap3A_56] : memref<1x64x2048xi32, #tpu.memory_space<vmem>>, vector<1x64x2048xi32>
    %swap3A_58 = vector.shape_cast %swap3A_57 : vector<1x64x2048xi32> to vector<64x2048xi32>
    %swap3A_59 = vector.shape_cast %select_n3A : vector<64x2048xi32> to vector<1x64x2048xi32>
    tpu.vector_store %arg3[%swap3A, %swap3A_55, %swap3A_56], %swap3A_59 {strides = array<i32>} : memref<1x64x2048xi32, #tpu.memory_space<vmem>>, vector<1x64x2048xi32>,
    return
  }
  func.func @transform_0(%arg0: i32) -> (i32, i32, i32, i32) {
    %c0_i32 = arith.constant 0 : i32
    %c0_i32_0 = arith.constant 0 : i32
    %c0_i32_1 = arith.constant 0 : i32
    %c0_i32_2 = arith.constant 0 : i32
    return %arg0, %c0_i32, %c0_i32_0, %c0_i32_1 : i32, i32, i32, i32
  }
  func.func @transform_1(%arg0: i32) -> (i32, i32, i32) {
    %c0_i32 = arith.constant 0 : i32
    %c0_i32_0 = arith.constant 0 : i32
    %c0_i32_1 = arith.constant 0 : i32
    return %arg0, %c0_i32, %c0_i32_0 : i32, i32, i32
  }
  func.func @transform_2(%arg0: i32) -> (i32, i32, i32) {
    %c0_i32 = arith.constant 0 : i32
    %c0_i32_0 = arith.constant 0 : i32
    %c0_i32_1 = arith.constant 0 : i32
    return %arg0, %c0_i32, %c0_i32_0 : i32, i32, i32
  }
}

module attributes {stable_mosaic.version = 14 : i64} {
  func.func @_final_body(%arg0: i32, %arg1: i32, %arg2: memref<1x4096x128xf32, #tpu.memory_space<vmem>>, %arg3: memref<1x64x8x512xf32, #tpu.memory_space<vmem>>) attributes {dimension_semantics = [#tpu.dimension_semantics<arbitrary>, #tpu.dimension_semantics<arbitrary>], iteration_bounds = array<i64: 2, 64>, scalar_prefetch = 0 : i64, scratch_operands = 0 : i64, tpu.core_type = #tpu.core_type<tc>, window_params = [{transform_indices = @transform_0, window_bounds = array<i64: 1, 4096, 128>}, {transform_indices = @transform_1, window_bounds = array<i64: 1, 64, 8, 512>}]} {
    %get3A = arith.constant 0 : index
    %get3A_0 = arith.constant 0 : index
    %get3A_1 = arith.constant 0 : index
    %get3A_2 = vector.load %arg2[%get3A, %get3A_0, %get3A_1] : memref<1x4096x128xf32, #tpu.memory_space<vmem>>, vector<1x4096x128xf32>
    %get3A_3 = vector.shape_cast %get3A_2 : vector<1x4096x128xf32> to vector<4096x128xf32>
    %slice3A = vector.extract_strided_slice %get3A_3 {offsets = [0, 0], sizes = [4096, 64], strides = [1, 1]} : vector<4096x128xf32> to vector<4096x64xf32>
    %slice3A_4 = vector.extract_strided_slice %get3A_3 {offsets = [0, 64], sizes = [4096, 1], strides = [1, 1]} : vector<4096x128xf32> to vector<4096x1xf32>
    %max3A = arith.constant 1.000000e+00 : f32
    %max3A_5 = vector.broadcast %max3A : f32 to vector<4096x1xf32>
    %max3A_6 = arith.maximumf %slice3A_4, %max3A_5 : vector<4096x1xf32>
    %div3A = vector.broadcast %max3A_6 : vector<4096x1xf32> to vector<4096x64xf32>
    %div3A_7 = arith.divf %slice3A, %div3A : vector<4096x64xf32>
    %transpose3A = tpu.transpose %div3A_7, [1, 0] : vector<4096x64xf32> -> vector<64x4096xf32>
    %slice3A_8 = vector.extract_strided_slice %transpose3A {offsets = [0, 0], sizes = [64, 512], strides = [1, 1]} : vector<64x4096xf32> to vector<64x512xf32>
    %swap3A = arith.constant 0 : index
    %swap3A_9 = arith.constant 0 : index
    %swap3A_10 = arith.constant 0 : index
    %swap3A_11 = arith.constant 0 : index
    %swap3A_12 = vector.load %arg3[%swap3A, %swap3A_9, %swap3A_10, %swap3A_11] : memref<1x64x8x512xf32, #tpu.memory_space<vmem>>, vector<1x64x1x512xf32>
    %swap3A_13 = vector.shape_cast %swap3A_12 : vector<1x64x1x512xf32> to vector<64x512xf32>
    %swap3A_14 = vector.shape_cast %slice3A_8 : vector<64x512xf32> to vector<1x64x1x512xf32>
    tpu.vector_store %arg3[%swap3A, %swap3A_9, %swap3A_10, %swap3A_11], %swap3A_14 {strides = array<i32>} : memref<1x64x8x512xf32, #tpu.memory_space<vmem>>, vector<1x64x1x512xf32>,
    %slice3A_15 = vector.extract_strided_slice %transpose3A {offsets = [0, 512], sizes = [64, 512], strides = [1, 1]} : vector<64x4096xf32> to vector<64x512xf32>
    %swap3A_16 = arith.constant 0 : index
    %swap3A_17 = arith.constant 0 : index
    %swap3A_18 = arith.constant 1 : index
    %swap3A_19 = arith.constant 0 : index
    %swap3A_20 = vector.load %arg3[%swap3A_16, %swap3A_17, %swap3A_18, %swap3A_19] : memref<1x64x8x512xf32, #tpu.memory_space<vmem>>, vector<1x64x1x512xf32>
    %swap3A_21 = vector.shape_cast %swap3A_20 : vector<1x64x1x512xf32> to vector<64x512xf32>
    %swap3A_22 = vector.shape_cast %slice3A_15 : vector<64x512xf32> to vector<1x64x1x512xf32>
    tpu.vector_store %arg3[%swap3A_16, %swap3A_17, %swap3A_18, %swap3A_19], %swap3A_22 {strides = array<i32>} : memref<1x64x8x512xf32, #tpu.memory_space<vmem>>, vector<1x64x1x512xf32>,
    %slice3A_23 = vector.extract_strided_slice %transpose3A {offsets = [0, 1024], sizes = [64, 512], strides = [1, 1]} : vector<64x4096xf32> to vector<64x512xf32>
    %swap3A_24 = arith.constant 0 : index
    %swap3A_25 = arith.constant 0 : index
    %swap3A_26 = arith.constant 2 : index
    %swap3A_27 = arith.constant 0 : index
    %swap3A_28 = vector.load %arg3[%swap3A_24, %swap3A_25, %swap3A_26, %swap3A_27] : memref<1x64x8x512xf32, #tpu.memory_space<vmem>>, vector<1x64x1x512xf32>
    %swap3A_29 = vector.shape_cast %swap3A_28 : vector<1x64x1x512xf32> to vector<64x512xf32>
    %swap3A_30 = vector.shape_cast %slice3A_23 : vector<64x512xf32> to vector<1x64x1x512xf32>
    tpu.vector_store %arg3[%swap3A_24, %swap3A_25, %swap3A_26, %swap3A_27], %swap3A_30 {strides = array<i32>} : memref<1x64x8x512xf32, #tpu.memory_space<vmem>>, vector<1x64x1x512xf32>,
    %slice3A_31 = vector.extract_strided_slice %transpose3A {offsets = [0, 1536], sizes = [64, 512], strides = [1, 1]} : vector<64x4096xf32> to vector<64x512xf32>
    %swap3A_32 = arith.constant 0 : index
    %swap3A_33 = arith.constant 0 : index
    %swap3A_34 = arith.constant 3 : index
    %swap3A_35 = arith.constant 0 : index
    %swap3A_36 = vector.load %arg3[%swap3A_32, %swap3A_33, %swap3A_34, %swap3A_35] : memref<1x64x8x512xf32, #tpu.memory_space<vmem>>, vector<1x64x1x512xf32>
    %swap3A_37 = vector.shape_cast %swap3A_36 : vector<1x64x1x512xf32> to vector<64x512xf32>
    %swap3A_38 = vector.shape_cast %slice3A_31 : vector<64x512xf32> to vector<1x64x1x512xf32>
    tpu.vector_store %arg3[%swap3A_32, %swap3A_33, %swap3A_34, %swap3A_35], %swap3A_38 {strides = array<i32>} : memref<1x64x8x512xf32, #tpu.memory_space<vmem>>, vector<1x64x1x512xf32>,
    %slice3A_39 = vector.extract_strided_slice %transpose3A {offsets = [0, 2048], sizes = [64, 512], strides = [1, 1]} : vector<64x4096xf32> to vector<64x512xf32>
    %swap3A_40 = arith.constant 0 : index
    %swap3A_41 = arith.constant 0 : index
    %swap3A_42 = arith.constant 4 : index
    %swap3A_43 = arith.constant 0 : index
    %swap3A_44 = vector.load %arg3[%swap3A_40, %swap3A_41, %swap3A_42, %swap3A_43] : memref<1x64x8x512xf32, #tpu.memory_space<vmem>>, vector<1x64x1x512xf32>
    %swap3A_45 = vector.shape_cast %swap3A_44 : vector<1x64x1x512xf32> to vector<64x512xf32>
    %swap3A_46 = vector.shape_cast %slice3A_39 : vector<64x512xf32> to vector<1x64x1x512xf32>
    tpu.vector_store %arg3[%swap3A_40, %swap3A_41, %swap3A_42, %swap3A_43], %swap3A_46 {strides = array<i32>} : memref<1x64x8x512xf32, #tpu.memory_space<vmem>>, vector<1x64x1x512xf32>,
    %slice3A_47 = vector.extract_strided_slice %transpose3A {offsets = [0, 2560], sizes = [64, 512], strides = [1, 1]} : vector<64x4096xf32> to vector<64x512xf32>
    %swap3A_48 = arith.constant 0 : index
    %swap3A_49 = arith.constant 0 : index
    %swap3A_50 = arith.constant 5 : index
    %swap3A_51 = arith.constant 0 : index
    %swap3A_52 = vector.load %arg3[%swap3A_48, %swap3A_49, %swap3A_50, %swap3A_51] : memref<1x64x8x512xf32, #tpu.memory_space<vmem>>, vector<1x64x1x512xf32>
    %swap3A_53 = vector.shape_cast %swap3A_52 : vector<1x64x1x512xf32> to vector<64x512xf32>
    %swap3A_54 = vector.shape_cast %slice3A_47 : vector<64x512xf32> to vector<1x64x1x512xf32>
    tpu.vector_store %arg3[%swap3A_48, %swap3A_49, %swap3A_50, %swap3A_51], %swap3A_54 {strides = array<i32>} : memref<1x64x8x512xf32, #tpu.memory_space<vmem>>, vector<1x64x1x512xf32>,
    %slice3A_55 = vector.extract_strided_slice %transpose3A {offsets = [0, 3072], sizes = [64, 512], strides = [1, 1]} : vector<64x4096xf32> to vector<64x512xf32>
    %swap3A_56 = arith.constant 0 : index
    %swap3A_57 = arith.constant 0 : index
    %swap3A_58 = arith.constant 6 : index
    %swap3A_59 = arith.constant 0 : index
    %swap3A_60 = vector.load %arg3[%swap3A_56, %swap3A_57, %swap3A_58, %swap3A_59] : memref<1x64x8x512xf32, #tpu.memory_space<vmem>>, vector<1x64x1x512xf32>
    %swap3A_61 = vector.shape_cast %swap3A_60 : vector<1x64x1x512xf32> to vector<64x512xf32>
    %swap3A_62 = vector.shape_cast %slice3A_55 : vector<64x512xf32> to vector<1x64x1x512xf32>
    tpu.vector_store %arg3[%swap3A_56, %swap3A_57, %swap3A_58, %swap3A_59], %swap3A_62 {strides = array<i32>} : memref<1x64x8x512xf32, #tpu.memory_space<vmem>>, vector<1x64x1x512xf32>,
    %slice3A_63 = vector.extract_strided_slice %transpose3A {offsets = [0, 3584], sizes = [64, 512], strides = [1, 1]} : vector<64x4096xf32> to vector<64x512xf32>
    %swap3A_64 = arith.constant 0 : index
    %swap3A_65 = arith.constant 0 : index
    %swap3A_66 = arith.constant 7 : index
    %swap3A_67 = arith.constant 0 : index
    %swap3A_68 = vector.load %arg3[%swap3A_64, %swap3A_65, %swap3A_66, %swap3A_67] : memref<1x64x8x512xf32, #tpu.memory_space<vmem>>, vector<1x64x1x512xf32>
    %swap3A_69 = vector.shape_cast %swap3A_68 : vector<1x64x1x512xf32> to vector<64x512xf32>
    %swap3A_70 = vector.shape_cast %slice3A_63 : vector<64x512xf32> to vector<1x64x1x512xf32>
    tpu.vector_store %arg3[%swap3A_64, %swap3A_65, %swap3A_66, %swap3A_67], %swap3A_70 {strides = array<i32>} : memref<1x64x8x512xf32, #tpu.memory_space<vmem>>, vector<1x64x1x512xf32>,
    return
  }
  func.func @transform_0(%arg0: i32, %arg1: i32) -> (i32, i32, i32) {
    %c0_i32 = arith.constant 0 : i32
    %c0_i32_0 = arith.constant 0 : i32
    return %arg0, %arg1, %c0_i32 : i32, i32, i32
  }
  func.func @transform_1(%arg0: i32, %arg1: i32) -> (i32, i32, i32, i32) {
    %c0_i32 = arith.constant 0 : i32
    %c0_i32_0 = arith.constant 0 : i32
    %c0_i32_1 = arith.constant 0 : i32
    return %arg0, %c0_i32, %arg1, %c0_i32_0 : i32, i32, i32, i32
  }
}

</mosaic_0001>

<sc_bundles>
// kernel: kernel.6.cloned.1.call-start
scs
__scs_entry_jumppad:
0x0: {  	(pc) =	sbr.rel $0x88, $3  }
0x1: {  	(tag) =	ssettag $0x0;
	lr =	simm.s32 $0x1  }
0x2: {  	[smem:$0x3F9E] =	sst lr;
	_ =	strace $0xD0000000  }
0x3: {  	_ = 	snop  }
0x4: {  	_ = 	snop  }
0x5: {  	_ = 	snop  }
0x6: {  	_ = 	snop  }
0x7: {  	_ = 	snop  }
__scs_overlays_trampoline_lowered:
0x8: {  	[smem:$0x3FAD] =	sst s0  }
0x9: {  	[smem:$0x3FAE] =	sst s1  }
0xa: {  	[smem:$0x3FAF] =	sst s2  }
0xb: {  	[smem:$0x3FB0] =	sst s3  }
0xc: {  	[smem:$0x3FB1] =	sst s4  }
0xd: {  	[smem:$0x3FB2] =	sst s5  }
0xe: {  	[smem:$0x3FB3] =	sst s6  }
0xf: {  	[smem:$0x3FB4] =	sst s7  }
0x10: {  	[smem:$0x3FB5] =	sst s8  }
0x11: {  	[smem:$0x3FB6] =	sst s9;
	s0 =	simm.s32 @!p0 $0x0  }
0x12: {  	s1 =	sld [smem:$0x3F9C];
	s0 =	simm.s32 @p0 $0x1  }
0x13: {  	[smem:$0x3FB7] =	sst s0;
	s0 =	simm.s32 @!p1 $0x0  }
0x14: {  	s2 =	sld [smem:$0x3F9B];
	s0 =	simm.s32 @p1 $0x1  }
0x15: {  	[smem:$0x3FB8] =	sst s0;
	s0 =	simm.s32 @!p2 $0x0  }
0x16: {  	s3 =	sld [smem:$0x3FDB];
	s0 =	simm.s32 @p2 $0x1  }
0x17: {  	s4 =	simm.s32 $0x1BF5;
	[smem:$0x3FBA] =	sst s0  }
0x18: {  	s0 =	sld [smem:$0x3F9D];
	_ =	swait.ge [sflag:s4], $0x0  }
0x19: {  	s7 =	sld [smem:$0x3F9E]  }
0x1a: {  	s8 =	sadd.s32 $0xFFFFE003, lr  }
0x1b: {  	s9 =	sadd.s32 $0xFFFFFEF7, lr;
	s5 =	simm.s32 $0xFFFFFFFF;
	p2 =	slt.u32 s8, $0xFFFFF086  }
0x1c: {  	p1 =	slt.u32 s9, $0xF7A;
	s5 =	simm.s32 @!p2 $0x0  }
0x1d: {  	s5 =	simm.s32 @p1 $0x1;
	p0 =	seq.s32 s7, s2  }
0x1e: {  	s7 =	smul.u32 @!p0 $0xF7A, s2;
	p2 =	seq.s32 @!p0 s5, $0x0  }
0x1f: {  	s9 =	smul.u32 $0xF7A, s1;
	s8 =	simm.s32 @!p0 $0x1BF5;
	p2 =	por !p2, p0  }
0x20: {  	[sflag:s8] =	ssyncset.s32 @!p0 $0xFFFFF086;
	s6 =	sadd.s32 @!p0 s3, s7;
	s7 =	simm.s32 @!p0 $0x108  }
0x21: {  	s3 =	sadd.s32 s3, s9;
	s6 =	sadd.s32 @!p0 $0x88, s6;
	s7 =	simm.s32 @p2 $0x1082  }
0x22: {  	[simem:s7], [sflag:s8] =	dma.local @!p0 [hbm:s6], $0xF7A  }
0x23: {  	s9 =	sor.u32 $0xD0000000, s2;
	s6 =	simm.s32 $0x108;
	_ =	swait.ge @!p0 [sflag:s8], $0x0  }
0x24: {  	s3 =	sadd.s32 $0x88, s3;
	s6 =	simm.s32 @!p1 $0x1082;
	[sflag:s4] =	ssyncset.s32 $0xFFFFF086  }
0x25: {  	[simem:s6], [sflag:s4] =	dma.local [hbm:s3], $0xF7A  }
0x26: {  	[smem:$0x3F9E] =	sst s1;
	(tag) =	ssettag s2;
	_ =	strace s9  }
0x27: {  	s1 =	sld [smem:$0x3FAE]  }
0x28: {  	s2 =	sld [smem:$0x3FAF]  }
0x29: {  	s4 =	sld [smem:$0x3FB1]  }
0x2a: {  	p0 =	seq.s32 s5, $0x0;
	s5 =	sld [smem:$0x3FB2]  }
0x2b: {  	s6 =	sld [smem:$0x3FB3]  }
0x2c: {  	s7 =	sld [smem:$0x3FB4]  }
0x2d: {  	s3 =	simm.s32 $0x108;
	s8 =	sld [smem:$0x3FB5]  }
0x2e: {  	s3 =	simm.s32 @!p0 $0x1082;
	s9 =	sld [smem:$0x3FB6]  }
0x2f: {  	lr =	sadd.s32 s0, s3;
	s0 =	sld [smem:$0x3FAD]  }
0x30: {  	s3 =	sld [smem:$0x3FB0]  }
0x31: {  	[smem:$0x3FB9] =	sst s10  }
0x32: {  	s10 =	sld [smem:$0x3FB7];
	_ =	sdelay $0x3  }
0x33: {  	p0 =	seq.s32 s10, $0x1;
	s10 =	sld [smem:$0x3FB9];
	_ =	sdelay $0x3  }
0x34: {  	[smem:$0x3FB9] =	sst s10  }
0x35: {  	s10 =	sld [smem:$0x3FB8];
	_ =	sdelay $0x3  }
0x36: {  	p1 =	seq.s32 s10, $0x1;
	s10 =	sld [smem:$0x3FB9];
	_ =	sdelay $0x3  }
0x37: {  	[smem:$0x3FB9] =	sst s10  }
0x38: {  	s10 =	sld [smem:$0x3FBA]  }
0x39: {  	_ = 	snop;
	(pc) =	sbr.ind lr, $3  }
0x3a: {  	_ = 	snop  }
0x3b: {  	_ = 	snop  }
0x3c: {  	p2 =	seq.s32 s10, $0x1;
	s10 =	sld [smem:$0x3FB9]  }
0x3d: {  	_ =	shalt  }
0x3e: {  	_ =	shalt  }
0x3f: {  	_ =	shalt  }
0x40: {  	_ =	shalt  }
0x41: {  	_ =	shalt  }
0x42: {  	_ =	shalt  }
0x43: {  	_ =	shalt  }
0x44: {  	_ =	shalt  }
0x45: {  	_ =	shalt  }
0x46: {  	_ =	shalt  }
0x47: {  	_ =	shalt  }
0x48: {  	_ =	shalt  }
0x49: {  	_ =	shalt  }
0x4a: {  	_ =	shalt  }
0x4b: {  	_ =	shalt  }
0x4c: {  	_ =	shalt  }
0x4d: {  	_ =	shalt  }
0x4e: {  	_ =	shalt  }
0x4f: {  	_ =	shalt  }
0x50: {  	_ =	shalt  }
0x51: {  	_ =	shalt  }
0x52: {  	_ =	shalt  }
0x53: {  	_ =	shalt  }
0x54: {  	_ =	shalt  }
0x55: {  	_ =	shalt  }
0x56: {  	_ =	shalt  }
0x57: {  	_ =	shalt  }
0x58: {  	_ =	shalt  }
0x59: {  	_ =	shalt  }
0x5a: {  	_ =	shalt  }
0x5b: {  	_ =	shalt  }
0x5c: {  	_ =	shalt  }
0x5d: {  	_ =	shalt  }
0x5e: {  	_ =	shalt  }
0x5f: {  	_ =	shalt  }
0x60: {  	_ =	shalt  }
0x61: {  	_ =	shalt  }
0x62: {  	_ =	shalt  }
0x63: {  	_ =	shalt  }
0x64: {  	_ =	shalt  }
0x65: {  	_ =	shalt  }
0x66: {  	_ =	shalt  }
0x67: {  	_ =	shalt  }
0x68: {  	_ =	shalt  }
0x69: {  	_ =	shalt  }
0x6a: {  	_ =	shalt  }
0x6b: {  	_ =	shalt  }
0x6c: {  	_ =	shalt  }
0x6d: {  	_ =	shalt  }
0x6e: {  	_ =	shalt  }
0x6f: {  	_ =	shalt  }
0x70: {  	_ =	shalt  }
0x71: {  	_ =	shalt  }
0x72: {  	_ =	shalt  }
0x73: {  	_ =	shalt  }
0x74: {  	_ =	shalt  }
0x75: {  	_ =	shalt  }
0x76: {  	_ =	shalt  }
0x77: {  	_ =	shalt  }
0x78: {  	_ =	shalt  }
0x79: {  	_ =	shalt  }
0x7a: {  	_ =	shalt  }
0x7b: {  	_ =	shalt  }
0x7c: {  	_ =	shalt  }
0x7d: {  	_ =	shalt  }
0x7e: {  	_ =	shalt  }
0x7f: {  	_ =	shalt  }
0x80: {  	_ =	shalt  }
0x81: {  	_ =	shalt  }
0x82: {  	_ =	shalt  }
0x83: {  	_ =	shalt  }
0x84: {  	_ =	shalt  }
0x85: {  	_ =	shalt  }
0x86: {  	_ =	shalt  }
0x87: {  	_ =	shalt  }
.Lfunc_end0:
.L_simem_size_0:
called_computation_lowered:
.L_overlay_start_0:
0x88: {  	s2 =	sld [smem:$0x3FD9]  }
0x89: {  	s3 =	sld [smem:$0x3FFE];
	_ =	sdelay $0x1  }
0x8a: {  	s1 =	srdreg.scid  }
0x8b: {  	s0 =	sand.u32 $0x1, s1  }
0x8c: {  	s17 =	sshll.u32 s0, $0xA;
	s2 =	sadd.s32 s3, s2  }
0x8d: {  	s2 =	sadd.s32 s2, s17  }
0x8e: {  	[smem:$0x3FC5] =	sst s2  }
0x8f: {  	_ = 	snop  }
0x90: {  	s2 =	sld [smem:$0x3FD0];
	(tm) =	ssettm $0x1  }
0x91: {  	s18 =	sld [smem:$0x3FFB];
	_ =	sdelay $0x3  }
0x92: {  	_ =	strace s18  }
0x93: {  	s3 =	sld [smem:$0x3FFC];
	_ =	sdelay $0x3  }
0x94: {  	_ =	strace s3  }
0x95: {  	s3 =	sld [smem:$0x3FFD];
	_ =	sdelay $0x3  }
0x96: {  	_ =	strace s3  }
0x97: {  	_ =	strace $0x8FFFFFFF  }
0x98: {  	s19 =	sld [smem:$0x3FDB];
	_ =	sdelay $0x1  }
0x99: {  	s4 =	simm.s32 $_scs_section_size  }
0x9a: {  	s5 =	simm.s32 $_size__tile_overlayer_lowered;
	s6 =	simm.s32 $_tile_overlayer_lowered  }
0x9b: {  	s22 =	simm.s32 $0x1BFF;
	s21 =	sshll.u32 s6, $0x1;
	s3 =	sadd.s32 s4, s19  }
0x9c: {  	s7 =	simm.s32 $0x0;
	s20 =	sshll.u32 s5, $0x1;
	s5 =	sadd.s32 s21, s3  }
0x9d: {  	[timem:s7], [sflag:s22] =	dma.local [hbm:s5], s20  }
0x9e: {  	_ =	swait.ge [sflag:s22], s20  }
0x9f: {  	s4 =	ssub.s32 $0x0, s20;
	[sflag:s22] =	ssyncset.done $0x0  }
0xa0: {  	[sflag:s22] =	ssyncadd.s32 s4;
	_ =	sdelay $0x1  }
0xa1: {  	s23 =	simm.s32 $0x1B8B  }
0xa2: {  	_ =	swait.ge [sflag:s23], $0x1  }
0xa3: {  	[sflag:s23] =	ssyncset.done $0x0  }
0xa4: {  	s25 =	simm.s32 $0x1B8E;
	s24 =	sld [smem:$0x3FFE];
	[sflag:s23] =	ssyncadd.s32 $0xFFFFFFFF  }
0xa5: {  	s26 =	simm.s32 $execute0_lowered;
	[smem:$0x3FD2] =	sst s25  }
0xa6: {  	s5 =	sshll.u32 s26, $0x1;
	_ =	strace $0x80000046;
	[dreg:$0x1] =	wrdreg $0xFFFFFFFF  }
0xa7: {  	s28 =	simm.s32 $_size_execute0_lowered;
	s3 =	sadd.s32 s3, s5;
	[dreg:$0x0] =	wrdreg $0x0  }
0xa8: {  	s5 =	sshll.u32 s28, $0x1;
	[dreg:$0x2] =	wrdreg s3  }
0xa9: {  	[dreg:$0x3] =	wrdreg s5  }
0xaa: {  	[dreg:$0x4] =	wrdreg $0xC0  }
0xab: {  	_ =	task [dreg:s7], $0x5FFFF  }
0xac: {  	[dreg:$0x1] =	wrdreg $0xFFFFFFFF  }
0xad: {  	[dreg:$0x0] =	wrdreg $0x60  }
0xae: {  	[dreg:$0x2] =	wrdreg s24  }
0xaf: {  	[dreg:$0x3] =	wrdreg s2  }
0xb0: {  	[dreg:$0x4] =	wrdreg $0xE1800  }
0xb1: {  	[dreg:$0x5] =	wrdreg $0x9  }
0xb2: {  	_ =	task.clear_ibuf [dreg:s7], $0x6FFFF;
	_ =	strace $0x90000046  }
0xb3: {  	s29 =	simm.s32 $0x9;
	_ =	strace $0x80000048  }
0xb4: {  	_ =	swait.ge [sflag:s29], $0x1  }
0xb5: {  	[sflag:s29] =	ssyncadd.s32 $0xFFFFFFFF  }
0xb6: {  	_ =	strace $0x90000048  }
0xb7: {  	_ =	sfence  }
0xb8: {  	s30 =	sld [smem:$0x0];
	_ =	sdelay $0x2  }
0xb9: {  	s31 =	sshll.u32 s1, $0xD;
	s1 =	sshrl.u32 s1, $0x2  }
0xba: {  	s3 =	sand.u32 $0x4000, s31;
	s1 =	sadd.s32 s1, s30  }
0xbb: {  	s0 =	sor.u32 s3, s0;
	s1 =	sshll.u32 s1, $0x11  }
0xbc: {  	s0 =	sor.u32 s1, s0  }
0xbd: {  	s0 =	sadd.s32 $0x8F2B, s0  }
0xbe: {  	[sflag:s0] =	ssyncadd.remote.s32 $0x1  }
0xbf: {  	_ =	sfence.sel $0xFFFF  }
0xc0: {  	[dreg:$0x0] =	wrdreg $0xFFFFFFFF;
	(pc) =	sbr.abs _section_cstart, $3  }
0xc1: {  	[dreg:$0x1] =	wrdreg $0xFFFFFFFF  }
0xc2: {  	_ =	task.clear_ibuf [dreg:s7], $0x2FFFF;
	_ =	strace $0x9FFFFFFF  }
0xc3: {  	(tm) =	ssettm $0x7FFFFFFF  }
tec
execute0_lowered:
.L_overlay_start_1:
0x0: {  	(tag) =	ssettag $0x1  }
0x1: {  	s0 =	rddreg [dreg:$0x0]  }
0x2: {  	s1 =	rddreg [dreg:$0x1]  }
0x3: {  	s3 =	rddreg [dreg:$0x2];
	s15 =	simm.s32 $0x0;
	s12 =	stileid.u32  }
0x4: {  	s2 =	srdreg.scid;
	s17 =	simm.s32 $0x80;
	s19 =	simm.s32 $0x4  }
0x5: {  	s20 =	simm.s32 $0x2000;
	s21 =	simm.s32 $0x4080;
	s22 =	simm.s32 $0xA180  }
0x6: {  	s23 =	simm.s32 $0x1;
	s24 =	simm.s32 $0x6180;
	s25 =	simm.s32 $0x2  }
0x7: {  	s28 =	simm.s32 $0x3;
	[smem:$0x7FF] =	sst s15;
	s4 =	sshll.u32 s12, $0xB  }
0x8: {  	s2 =	sand.u32 $0x1, s2;
	s5 =	sshll.u32 s12, $0xD;
	s8 =	sshll.u32 s12, $0x10  }
0x9: {  	s13 =	sor.u32 $0x2000, s12;
	_ =	strace $0x80000047;
	s4 =	sadd.s32 s4, s0  }
0xa: {  	s6 =	ssub.s32 $0x2, s2;
	s0 =	sadd.s32 s5, s0;
	s16 =	sor.u32 $0x20030, s5  }
0xb: {  	s7 =	sshrl.u32 s6, $0x1;
	s26 =	sadd.s32 $0x800, s4;
	s31 =	sadd.s32 $0x8800, s0  }
.Ltmp0:
0xc: {  	s29 =	sadd.s32 $0x810, s4;
	s14 =	sadd.s32 $0x408800, s0;
	(pc) =	sbr.rel .LBB2_1-.Ltmp0, $4  }
0xd: {  	s7 =	ssub.s32 s6, s7;
	s6 =	sadd.s32 s8, s3;
	[dreg:$0x5] =	wrdreg s26  }
0xe: {  	s8 =	sshll.u32 s2, $0x4;
	[dreg:$0x7] =	wrdreg s29;
	s26 =	simm.s32 $0x6100  }
0xf: {  	v2 =	vimm.f32 $0.0e+00;
	v3 =	vlaneseq.u32;
	[dreg:$0x6] =	wrdreg s31;
	s9 =	sadd.s32 $0x4000, s6;
	s30 =	smax.u32 s7, $0x1  }
0x10: {  	v4 =	vimm.s32 $0x0;
	v0 =	vmov s5;
	v1 =	vmov s13;
	s10 =	sadd.s32 $0x8000, s6;
	s11 =	sadd.s32 $0xC000, s6;
	[dreg:$0x8] =	wrdreg s30  }
.LBB2_19:
0x11: {  	_ =	swait.ge [sflag:s28], $0x2000  }
0x12: {  	s15 =	rddreg [dreg:$0x4]  }
0x13: {  	s0 =	rddreg [dreg:$0x8];
	s15 =	sadd.s32 $0x1, s15  }
0x14: {  	p0 =	sne.s32 s15, s0  }
.Ltmp1:
0x15: {  	_ = 	snop;
	(pc) =	sbr.rel @!p0 .LBB2_20-.Ltmp1, $3  }
0x16: {  	_ =	sdelay $0x1  }
0x17: {  	[sflag:s28] =	ssyncset.done $0x0  }
0x18: {  	s12 =	stileid.u32;
	s31 =	rddreg [dreg:$0x6];
	[sflag:s28] =	ssyncadd.s32 $0xFFFFE000  }
.LBB2_1:
0x19: {  	[dreg:$0x4] =	wrdreg s15;
	s0 =	simm.s32 $0x0;
	s4 =	simm.s32 $0x200  }
.LBB2_2:
0x1a: {  	p0 =	sne.s32 s4, $0xFE00;
	[tilespmem:s0+$0xA1F0] =	vst v2  }
0x1b: {  	[tilespmem:s0+$0xA180] =	vst v2  }
0x1c: {  	[tilespmem:s0+$0xA190] =	vst v2  }
.Ltmp2:
0x1d: {  	[tilespmem:s0+$0xA1A0] =	vst v2;
	(pc) =	sbr.rel @p0 .LBB2_2-.Ltmp2, $4  }
0x1e: {  	[tilespmem:s0+$0xA1B0] =	vst v2  }
0x1f: {  	[tilespmem:s0+$0xA1C0] =	vst v2  }
0x20: {  	[tilespmem:s0+$0xA1D0] =	vst v2  }
0x21: {  	[tilespmem:s0+$0xA1E0] =	vst v2;
	s0 =	sshra.s32 s4, $0x2;
	s4 =	sadd.s32 $0x200, s4  }
0x22: {  	[tilespmem:s0+$0xA1F0] =	vst v2  }
0x23: {  	[tilespmem:s0+$0xA180] =	vst v2  }
0x24: {  	[tilespmem:s0+$0xA190] =	vst v2  }
0x25: {  	[tilespmem:s0+$0xA1A0] =	vst v2  }
0x26: {  	[tilespmem:s0+$0xA1B0] =	vst v2  }
0x27: {  	[tilespmem:s0+$0xA1C0] =	vst v2  }
0x28: {  	[tilespmem:s0+$0xA1D0] =	vst v2  }
0x29: {  	[tilespmem:s0+$0xA1E0] =	vst v2;
	s0 =	simm.s32 $0x0  }
.Ltmp3:
0x2a: {  	s2 =	rddreg [dreg:$0x5];
	s4 =	simm.s32 $0x100;
	(pc) =	sbr.rel .LBB2_4-.Ltmp3, $4  }
0x2b: {  	[tilespmem:s0], [sflag:$0x4] =	stream.strided.gather [hbm4b:s2+s17], $0x2000, s4, s17, $0x38;
	[tilespmem:$0x1E200] =	vst v63  }
0x2c: {  	_ =	swait.ge [sflag:s19], $0x2000  }
0x2d: {  	[sflag:s19] =	ssyncset.done $0x0  }
0x2e: {  	s18 =	simm.s32 $0x0;
	[sflag:s19] =	ssyncadd.s32 $0xFFFFE000  }
.LBB2_9:
0x2f: {  	[sflag:s19] =	ssyncadd.s32 $0xFFFFC000  }
.LBB2_10:
0x30: {  	s18 =	sadd.s32 $0x1, s18  }
0x31: {  	p0 =	sne.s32 s18, $0x10  }
.Ltmp4:
0x32: {  	_ = 	snop;
	(pc) =	sbr.rel @!p0 .LBB2_11-.Ltmp4, $4  }
0x33: {  	_ = 	snop  }
0x34: {  	s2 =	sshll.u32 s29, $0x11;
	[bflag:$0x0] =	sbarrier.arrive $0xFFFF;
	s4 =	sshll.u32 s12, $0x6  }
0x35: {  	s30 =	sshrl.u32 s6, $0x3;
	s2 =	sadd.s32 s2, s31;
	s29 =	sor.u32 $0x1C03, s4  }
0x36: {  	[hbm:s2], [sflag:s29] =	dma.local [spmem:s30], $0x2000  }
.LBB2_4:
0x37: {  	s30 =	simm.s32 $0x20  }
0x38: {  	v6 =	vld [tilespmem:s30+$0xFFFFFFE0];
	_ =	sdelay $0x1  }
0x39: {  	v7 =	vld [tilespmem:s30+$0xFFFFFFF0];
	_ =	sdelay $0x1  }
0x3a: {  	s29 =	sadd.s32 s8, s18;
	v8 =	vld [tilespmem:s30+$0x0]  }
0x3b: {  	v5 =	vmov s29;
	v9 =	vshra.s32 v6, $0xD  }
0x3c: {  	vm3 =	veq.s32 v9, v5  }
0x3d: {  	v54 =	vshra.s32 v7, $0xD;
	v10 =	vsel vm3, $0x1, v4  }
0x3e: {  	vm2 =	veq.s32 v54, v5;
	(xrf0) =	vadd.scan.msk.s32 $0xffff, v10  }
0x3f: {  	v55 =	vshra.s32 v8, $0xD;
	v56 =	vsel vm2, $0x1, v4  }
0x40: {  	vm1 =	veq.s32 v55, v5;
	(xrf0) =	vadd.scan.msk.s32 $0xffff, v56  }
0x41: {  	v9 =	vsel vm1, $0x1, v4  }
0x42: {  	(xrf0) =	vadd.scan.msk.s32 $0xffff, v9;
	_ =	sdelay $0x1  }
0x43: {  	v57 =	vld [tilespmem:s30+$0x10];
	v58, _, _ =	vpop (xrf0)  }
0x44: {  	(v2sf) =	vpush v58, $0xF  }
0x45: {  	v11, _, _ =	vpop (xrf0)  }
0x46: {  	(v2sf) =	vpush v11, $0xF  }
0x47: {  	v12, _, _ =	vpop (xrf0)  }
0x48: {  	v13 =	vshra.s32 v57, $0xD;
	(v2sf) =	vpush v12, $0xF  }
0x49: {  	vm0 =	veq.s32 v13, v5  }
0x4a: {  	v13 =	vsel vm0, $0x1, v4  }
0x4b: {  	(xrf0) =	vadd.scan.msk.s32 $0xffff, v13;
	_ =	sdelay $0x5  }
0x4c: {  	v13, _, _ =	vpop (xrf0)  }
0x4d: {  	(v2sf) =	vpush v13, $0xF  }
0x4e: {  	v14 =	vmov s0;
	s2 =	spop (v2sf)  }
0x4f: {  	v14 =	vadd.s32 $0xFFFFFFFF, v14;
	s2 =	sadd.s32 $0x0, s2  }
0x50: {  	v14 =	vbroadcast v14, $0x0;
	s4 =	spop (v2sf);
	v15 =	vmov s2  }
0x51: {  	s2 =	sadd.s32 s4, s2;
	v15 =	vadd.s32 $0xFFFFFFFF, v15  }
0x52: {  	v10 =	vadd.s32 v58, v14;
	s13 =	spop (v2sf);
	v59 =	vmov s2;
	v15 =	vbroadcast v15, $0x0  }
0x53: {  	s2 =	sadd.s32 s13, s2;
	v14 =	vadd.s32 $0xFFFFFFFF, v59  }
0x54: {  	v16 =	vmov s2;
	v14 =	vbroadcast v14, $0x0;
	v11 =	vadd.s32 v11, v15  }
0x55: {  	s15 =	sadd.s32 $0x0, s5;
	v60 =	vadd.s32 $0xFFFFFFFF, v16  }
0x56: {  	v61 =	vor.u32 s15, v3;
	v15 =	vbroadcast v60, $0x0;
	v12 =	vadd.s32 v12, v14  }
0x57: {  	s7 =	sadd.s32 $0x10, s15;
	v6 =	vand.u32 $0x1FFF, v6;
	[tilespmem:v10+s20+$0x0] =	vst.idx.msk vm3, v61  }
0x58: {  	v62 =	vor.u32 s7, v3;
	[tilespmem:v10+s21+$0x0] =	vst.idx.msk vm3, v6;
	v6 =	vadd.s32 v13, v15  }
0x59: {  	v7 =	vand.u32 $0x1FFF, v7;
	s13 =	sadd.s32 $0x20, s15;
	[tilespmem:v11+s20+$0x0] =	vst.idx.msk vm2, v62  }
0x5a: {  	v63 =	vor.u32 s13, v3;
	[tilespmem:v11+s21+$0x0] =	vst.idx.msk vm2, v7  }
0x5b: {  	s4 =	sadd.s32 $0x30, s15;
	v7 =	vand.u32 $0x1FFF, v8;
	[tilespmem:v12+s20+$0x0] =	vst.idx.msk vm1, v63  }
0x5c: {  	s15 =	spop (v2sf);
	v8 =	vor.u32 s4, v3;
	[tilespmem:v12+s21+$0x0] =	vst.idx.msk vm1, v7  }
0x5d: {  	s13 =	simm.s32 $0x40;
	s7 =	sadd.s32 s15, s2;
	v7 =	vand.u32 $0x1FFF, v57;
	[tilespmem:v6+s20+$0x0] =	vst.idx.msk vm0, v8  }
.LBB2_5:
0x5e: {  	p0 =	sne.s32 s13, $0x1FC0  }
0x5f: {  	[tilespmem:v6+s21+$0x0] =	vst.idx.msk vm0, v7;
	s30 =	sadd.s32 $0x40, s30;
	s4 =	smov.u32 s13;
	s13 =	sadd.s32 $0x40, s13  }
0x60: {  	v6 =	vld [tilespmem:s30+$0xFFFFFFE0]  }
0x61: {  	v7 =	vld [tilespmem:s30+$0xFFFFFFF0]  }
0x62: {  	v8 =	vld [tilespmem:s30+$0x0]  }
0x63: {  	v9 =	vld [tilespmem:s30+$0x10];
	_ =	sdelay $0x1  }
0x64: {  	v10 =	vshra.s32 v6, $0xD  }
0x65: {  	vm3 =	veq.s32 v10, v5;
	v10 =	vshra.s32 v7, $0xD  }
0x66: {  	v11 =	vsel vm3, $0x1, v4;
	vm2 =	veq.s32 v10, v5;
	v10 =	vshra.s32 v8, $0xD  }
0x67: {  	v12 =	vsel vm2, $0x1, v4;
	vm1 =	veq.s32 v10, v5;
	v10 =	vshra.s32 v9, $0xD;
	(xrf0) =	vadd.scan.msk.s32 $0xffff, v11  }
0x68: {  	v11 =	vsel vm1, $0x1, v4;
	vm0 =	veq.s32 v10, v5;
	(xrf0) =	vadd.scan.msk.s32 $0xffff, v12  }
0x69: {  	v10 =	vsel vm0, $0x1, v4;
	(xrf0) =	vadd.scan.msk.s32 $0xffff, v11  }
0x6a: {  	v11 =	vmov s7;
	(xrf0) =	vadd.scan.msk.s32 $0xffff, v10  }
0x6b: {  	v10 =	vadd.s32 $0xFFFFFFFF, v11  }
0x6c: {  	v10 =	vbroadcast v10, $0x0  }
0x6d: {  	v11, _, _ =	vpop (xrf0)  }
0x6e: {  	v10 =	vadd.s32 v11, v10;
	v12, _, _ =	vpop (xrf0);
	(v2sf) =	vpush v11, $0xF  }
0x6f: {  	v11, _, _ =	vpop (xrf0);
	(v2sf) =	vpush v12, $0xF  }
0x70: {  	v13, _, _ =	vpop (xrf0);
	(v2sf) =	vpush v11, $0xF  }
0x71: {  	(v2sf) =	vpush v13, $0xF;
	_ =	sdelay $0xb  }
0x72: {  	s2 =	spop (v2sf)  }
0x73: {  	s2 =	sadd.s32 s7, s2;
	s7 =	spop (v2sf)  }
0x74: {  	v14 =	vmov s2;
	s2 =	sadd.s32 s7, s2;
	s7 =	spop (v2sf)  }
0x75: {  	v14 =	vadd.s32 $0xFFFFFFFF, v14;
	v15 =	vmov s2;
	s2 =	sadd.s32 s7, s2;
	s7 =	spop (v2sf)  }
0x76: {  	v14 =	vbroadcast v14, $0x0;
	v15 =	vadd.s32 $0xFFFFFFFF, v15;
	v16 =	vmov s2;
	s7 =	sadd.s32 s7, s2  }
0x77: {  	v15 =	vbroadcast v15, $0x0;
	v16 =	vadd.s32 $0xFFFFFFFF, v16  }
0x78: {  	v12 =	vadd.s32 v12, v14;
	v14 =	vbroadcast v16, $0x0  }
0x79: {  	s2 =	sadd.s32 s4, s5  }
0x7a: {  	s4 =	sadd.s32 $0x10, s2;
	s15 =	sadd.s32 $0x20, s2;
	v16 =	vor.u32 s2, v3;
	s2 =	sadd.s32 $0x30, s2;
	v11 =	vadd.s32 v11, v15  }
0x7b: {  	v6 =	vand.u32 $0x1FFF, v6;
	[tilespmem:v10+s20+$0x0] =	vst.idx.msk vm3, v16  }
0x7c: {  	v15 =	vor.u32 s4, v3;
	[tilespmem:v10+s21+$0x0] =	vst.idx.msk vm3, v6;
	v6 =	vadd.s32 v13, v14  }
.Ltmp5:
0x7d: {  	v7 =	vand.u32 $0x1FFF, v7;
	[tilespmem:v12+s20+$0x0] =	vst.idx.msk vm2, v15;
	(pc) =	sbr.rel @p0 .LBB2_5-.Ltmp5, $4  }
0x7e: {  	v10 =	vor.u32 s15, v3;
	[tilespmem:v12+s21+$0x0] =	vst.idx.msk vm2, v7  }
0x7f: {  	v7 =	vand.u32 $0x1FFF, v8;
	[tilespmem:v11+s20+$0x0] =	vst.idx.msk vm1, v10  }
0x80: {  	v8 =	vor.u32 s2, v3;
	[tilespmem:v11+s21+$0x0] =	vst.idx.msk vm1, v7  }
0x81: {  	v7 =	vand.u32 $0x1FFF, v9;
	[tilespmem:v6+s20+$0x0] =	vst.idx.msk vm0, v8  }
0x82: {  	_ = 	snop  }
0x83: {  	v5 =	vadd.s32 s7, v3  }
0x84: {  	s2 =	sadd.s32 $0x10, s7  }
0x85: {  	v8 =	vadd.s32 s2, v3  }
0x86: {  	s4 =	sadd.s32 $0x20, s7  }
0x87: {  	[tilespmem:v6+s21+$0x0] =	vst.idx.msk vm0, v7;
	v6 =	vadd.s32 s4, v3  }
0x88: {  	s13 =	sadd.s32 $0x30, s7;
	[tilespmem:v5+s20+$0x0] =	vst.idx.msk $0xffff, v0  }
0x89: {  	[tilespmem:v5+s21+$0x0] =	vst.idx.msk $0xffff, v1;
	v5 =	vadd.s32 s13, v3  }
0x8a: {  	s15 =	sadd.s32 $0x40, s7;
	[tilespmem:v8+s20+$0x0] =	vst.idx.msk $0xffff, v0  }
0x8b: {  	v7 =	vadd.s32 s15, v3;
	[tilespmem:v8+s21+$0x0] =	vst.idx.msk $0xffff, v1  }
0x8c: {  	s30 =	sadd.s32 $0x50, s7;
	[tilespmem:v6+s20+$0x0] =	vst.idx.msk $0xffff, v0  }
0x8d: {  	[tilespmem:v6+s21+$0x0] =	vst.idx.msk $0xffff, v1;
	v6 =	vadd.s32 s30, v3  }
0x8e: {  	s4 =	sadd.s32 $0x60, s7;
	[tilespmem:v5+s20+$0x0] =	vst.idx.msk $0xffff, v0  }
0x8f: {  	[tilespmem:v5+s21+$0x0] =	vst.idx.msk $0xffff, v1;
	v5 =	vadd.s32 s4, v3  }
0x90: {  	s13 =	sadd.s32 $0x70, s7;
	[tilespmem:v7+s20+$0x0] =	vst.idx.msk $0xffff, v0  }
0x91: {  	[tilespmem:v7+s21+$0x0] =	vst.idx.msk $0xffff, v1;
	v7 =	vadd.s32 s13, v3  }
0x92: {  	[tilespmem:v6+s20+$0x0] =	vst.idx.msk $0xffff, v0  }
0x93: {  	[tilespmem:v6+s21+$0x0] =	vst.idx.msk $0xffff, v1  }
0x94: {  	[tilespmem:v5+s20+$0x0] =	vst.idx.msk $0xffff, v0  }
0x95: {  	[tilespmem:v5+s21+$0x0] =	vst.idx.msk $0xffff, v1  }
0x96: {  	p0 =	seq.s32 s18, $0x0;
	[tilespmem:v7+s20+$0x0] =	vst.idx.msk $0xffff, v0  }
0x97: {  	s2 =	simm.s32 @!p0 $0x3;
	[tilespmem:v7+s21+$0x0] =	vst.idx.msk $0xffff, v1  }
0x98: {  	_ =	swait.ge @!p0 [sflag:s2], $0x2000  }
0x99: {  	[sflag:s2] =	ssyncset.done @!p0 $0x0  }
0x9a: {  	[sflag:s2] =	ssyncadd.s32 @!p0 $0xFFFFE000  }
0x9b: {  	[spmem:s6] =	stream.linear.scatter [tilespmem:s22], [sflag:$0x1], $0x4000, $0x38;
	[tilespmem:$0x1E200] =	vst v63  }
0x9c: {  	_ = 	snop  }
0x9d: {  	[spmem:s9] =	stream.linear.scatter [tilespmem:s22], [sflag:$0x1], $0x4000, $0x38;
	[tilespmem:$0x1E200] =	vst v63  }
0x9e: {  	_ = 	snop  }
0x9f: {  	[spmem:s10] =	stream.linear.scatter [tilespmem:s22], [sflag:$0x1], $0x4000, $0x38;
	[tilespmem:$0x1E200] =	vst v63  }
0xa0: {  	_ = 	snop  }
0xa1: {  	[spmem:s11] =	stream.linear.scatter [tilespmem:s22], [sflag:$0x1], $0x4000, $0x38;
	[tilespmem:$0x1E200] =	vst v63  }
0xa2: {  	s15 =	sadd.s32 $0x7F, s7;
	_ =	swait.ge [sflag:s23], $0x4000  }
0xa3: {  	p1 =	slt.s32 s15, $0x1;
	[sflag:s23] =	ssyncset.done $0x0  }
0xa4: {  	s30 =	sshra.s32 s15, $0x1F;
	s4 =	sand.u32 $0x7F, s15;
	[sflag:s23] =	ssyncadd.s32 $0xFFFFC000  }
0xa5: {  	p6 =	sne.s32 s4, $0x0;
	s4 =	sshrl.u32 s30, $0x19;
	_ =	swait.ge [sflag:s23], $0x4000  }
0xa6: {  	p0 =	por !p1, !p6;
	s2 =	sadd.s32 s4, s15;
	[sflag:s23] =	ssyncset.done $0x0  }
0xa7: {  	s4 =	simm.s32 $0x1;
	p0 =	por !p0, !p0;
	[sflag:s23] =	ssyncadd.s32 $0xFFFFC000  }
0xa8: {  	s2 =	sshra.s32 s2, $0x7;
	s4 =	simm.s32 @!p0 $0x0;
	_ =	swait.ge [sflag:s23], $0x4000  }
0xa9: {  	s13 =	ssub.s32 s2, s4;
	[sflag:s23] =	ssyncset.done $0x0  }
0xaa: {  	p0 =	slt.s32 s13, $0x1;
	[sflag:s23] =	ssyncadd.s32 $0xFFFFC000  }
.Ltmp6:
0xab: {  	_ =	swait.ge [sflag:s23], $0x4000;
	(pc) =	sbr.rel @p0 .LBB2_10-.Ltmp6, $3  }
0xac: {  	[sflag:s23] =	ssyncset.done $0x0  }
0xad: {  	[sflag:s23] =	ssyncadd.s32 $0xFFFFC000  }
0xae: {  	[bflag:$0x0] =	sbarrier.arrive $0xFFFF;
	_ =	sdelay $0x1  }
0xaf: {  	s4 =	simm.s32 $0x40C0  }
0xb0: {  	v5 =	vld [tilespmem:s4+$0xFFFFFFC0];
	_ =	sdelay $0x4  }
0xb1: {  	[tilespmem:$0x6100] =	vst v5  }
0xb2: {  	v5 =	vld [tilespmem:s4+$0xFFFFFFD0];
	_ =	sdelay $0x4  }
0xb3: {  	[tilespmem:$0x6110] =	vst v5  }
0xb4: {  	v5 =	vld [tilespmem:s4+$0xFFFFFFE0];
	_ =	sdelay $0x4  }
0xb5: {  	[tilespmem:$0x6120] =	vst v5  }
0xb6: {  	v5 =	vld [tilespmem:s4+$0xFFFFFFF0];
	_ =	sdelay $0x4  }
0xb7: {  	[tilespmem:$0x6130] =	vst v5  }
0xb8: {  	v5 =	vld [tilespmem:s4+$0x0];
	_ =	sdelay $0x4  }
0xb9: {  	[tilespmem:$0x6140] =	vst v5  }
0xba: {  	v5 =	vld [tilespmem:s4+$0x10];
	_ =	sdelay $0x4  }
0xbb: {  	[tilespmem:$0x6150] =	vst v5  }
0xbc: {  	v5 =	vld [tilespmem:s4+$0x20];
	_ =	sdelay $0x4  }
0xbd: {  	[tilespmem:$0x6160] =	vst v5  }
0xbe: {  	v5 =	vld [tilespmem:s4+$0x30];
	_ =	sdelay $0x4  }
0xbf: {  	s7 =	simm.s32 $0x2000;
	[tilespmem:$0x6170] =	vst v5  }
0xc0: {  	[tilespmem:s24], [sflag:$0x2] =	stream.indirect.gather [hbm4b:s1+s17], $0x80, s7, s17, $0xb8;
	[tilespmem:$0x1E200] =	vst v63  }
0xc1: {  	p0 =	sne.s32 s13, $0x1;
	_ =	swait.ge [sflag:s25], $0x4000  }
.Ltmp7:
0xc2: {  	[sflag:s25] =	ssyncset.done $0x0;
	(pc) =	sbr.rel @!p0 .LBB2_9-.Ltmp7, $4  }
0xc3: {  	[sflag:s25] =	ssyncadd.s32 $0xFFFFC000  }
0xc4: {  	[spmem:s3] =	stream.indirect.scatter.add.f32 [tilespmem:s24], [sflag:$0x4], $0x80, s26, s17, $0xb8;
	[tilespmem:$0x1E200] =	vst v63  }
0xc5: {  	_ =	swait.ge [sflag:s19], $0x4000  }
0xc6: {  	s13 =	sadd.s32 $0xFFFFFFFF, s13;
	[sflag:s19] =	ssyncset.done $0x0  }
.LBB2_8:
0xc7: {  	[sflag:s19] =	ssyncadd.s32 $0xFFFFC000;
	s7 =	sadd.s32 $0x80, s7;
	s4 =	sadd.s32 $0x80, s4  }
0xc8: {  	p0 =	sne.s32 s13, $0x1;
	s13 =	sadd.s32 $0xFFFFFFFF, s13;
	v5 =	vld [tilespmem:s4+$0xFFFFFFC0];
	_ =	sdelay $0x4  }
0xc9: {  	[tilespmem:$0x6100] =	vst v5  }
0xca: {  	v5 =	vld [tilespmem:s4+$0xFFFFFFD0];
	_ =	sdelay $0x4  }
0xcb: {  	[tilespmem:$0x6110] =	vst v5  }
0xcc: {  	v5 =	vld [tilespmem:s4+$0xFFFFFFE0];
	_ =	sdelay $0x4  }
0xcd: {  	[tilespmem:$0x6120] =	vst v5  }
0xce: {  	v5 =	vld [tilespmem:s4+$0xFFFFFFF0];
	_ =	sdelay $0x4  }
0xcf: {  	[tilespmem:$0x6130] =	vst v5  }
0xd0: {  	v5 =	vld [tilespmem:s4+$0x0];
	_ =	sdelay $0x4  }
0xd1: {  	[tilespmem:$0x6140] =	vst v5  }
0xd2: {  	v5 =	vld [tilespmem:s4+$0x10];
	_ =	sdelay $0x4  }
0xd3: {  	[tilespmem:$0x6150] =	vst v5  }
0xd4: {  	v5 =	vld [tilespmem:s4+$0x20];
	_ =	sdelay $0x4  }
0xd5: {  	[tilespmem:$0x6160] =	vst v5  }
0xd6: {  	v5 =	vld [tilespmem:s4+$0x30];
	_ =	sdelay $0x4  }
0xd7: {  	[tilespmem:$0x6170] =	vst v5  }
0xd8: {  	[tilespmem:s24], [sflag:$0x2] =	stream.indirect.gather [hbm4b:s1+s17], $0x80, s7, s17, $0xb8;
	[tilespmem:$0x1E200] =	vst v63  }
0xd9: {  	_ =	swait.ge [sflag:s25], $0x4000  }
.Ltmp8:
0xda: {  	[sflag:s25] =	ssyncset.done $0x0;
	(pc) =	sbr.rel @p0 .LBB2_8-.Ltmp8, $4  }
0xdb: {  	[sflag:s25] =	ssyncadd.s32 $0xFFFFC000  }
0xdc: {  	[spmem:s3] =	stream.indirect.scatter.add.f32 [tilespmem:s24], [sflag:$0x4], $0x80, s26, s17, $0xb8;
	[tilespmem:$0x1E200] =	vst v63  }
0xdd: {  	_ =	swait.ge [sflag:s19], $0x4000  }
0xde: {  	[sflag:s19] =	ssyncset.done $0x0  }
.Ltmp9:
0xdf: {  	_ = 	snop;
	(pc) =	sbr.rel .LBB2_9-.Ltmp9, $1  }
0xe0: {  	_ =	sdelay $0x3  }
.LBB2_11:
0xe1: {  	s31 =	simm.s32 $0x0  }
.Ltmp10:
0xe2: {  	s0 =	rddreg [dreg:$0x7];
	s2 =	simm.s32 $0x100;
	(pc) =	sbr.rel .LBB2_12-.Ltmp10, $4  }
0xe3: {  	[tilespmem:s31], [sflag:$0x4] =	stream.strided.gather [hbm4b:s0+s17], $0x2000, s2, s17, $0x38;
	[tilespmem:$0x1E200] =	vst v63  }
0xe4: {  	_ =	swait.ge [sflag:s19], $0x2000  }
0xe5: {  	[sflag:s19] =	ssyncset.done $0x0  }
0xe6: {  	s0 =	simm.s32 $0x0;
	[sflag:s19] =	ssyncadd.s32 $0xFFFFE000  }
.LBB2_17:
0xe7: {  	[sflag:s19] =	ssyncadd.s32 $0xFFFFC000  }
.LBB2_18:
0xe8: {  	s0 =	sadd.s32 $0x1, s0  }
0xe9: {  	p0 =	sne.s32 s0, $0x10  }
.Ltmp11:
0xea: {  	_ = 	snop;
	(pc) =	sbr.rel @!p0 .LBB2_19-.Ltmp11, $4  }
0xeb: {  	_ = 	snop  }
0xec: {  	s2 =	sshll.u32 s18, $0x11  }
0xed: {  	[bflag:$0x0] =	sbarrier.arrive $0xFFFF;
	s2 =	sadd.s32 s2, s14  }
0xee: {  	[hbm:s2], [sflag:s29] =	dma.local [spmem:s30], $0x2000  }
.LBB2_12:
0xef: {  	s2 =	simm.s32 $0x0  }
0xf0: {  	v6 =	vld [tilespmem:s2+$0x0];
	_ =	sdelay $0x1  }
0xf1: {  	v8 =	vld [tilespmem:s2+$0x10];
	_ =	sdelay $0x1  }
0xf2: {  	s18 =	sadd.s32 s8, s0;
	v9 =	vld [tilespmem:s2+$0x20]  }
0xf3: {  	v5 =	vmov s18;
	v7 =	vshra.s32 v6, $0xD  }
0xf4: {  	vm3 =	veq.s32 v7, v5  }
0xf5: {  	v7 =	vshra.s32 v8, $0xD;
	v10 =	vsel vm3, $0x1, v4  }
0xf6: {  	vm2 =	veq.s32 v7, v5;
	(xrf0) =	vadd.scan.msk.s32 $0xffff, v10  }
0xf7: {  	v7 =	vshra.s32 v9, $0xD;
	v10 =	vsel vm2, $0x1, v4  }
0xf8: {  	vm1 =	veq.s32 v7, v5;
	(xrf0) =	vadd.scan.msk.s32 $0xffff, v10  }
0xf9: {  	v7 =	vsel vm1, $0x1, v4  }
0xfa: {  	v10 =	vld [tilespmem:s2+$0x30];
	(xrf0) =	vadd.scan.msk.s32 $0xffff, v7;
	_ =	sdelay $0x1  }
0xfb: {  	v7, _, _ =	vpop (xrf0)  }
0xfc: {  	(v2sf) =	vpush v7, $0xF  }
0xfd: {  	v11, _, _ =	vpop (xrf0)  }
0xfe: {  	v12 =	vshra.s32 v10, $0xD;
	(v2sf) =	vpush v11, $0xF  }
0xff: {  	vm0 =	veq.s32 v12, v5;
	v59, _, _ =	vpop (xrf0)  }
0x100: {  	v13 =	vsel vm0, $0x1, v4;
	(v2sf) =	vpush v59, $0xF  }
0x101: {  	(xrf0) =	vadd.scan.msk.s32 $0xffff, v13;
	_ =	sdelay $0x5  }
0x102: {  	v13, _, _ =	vpop (xrf0)  }
0x103: {  	(v2sf) =	vpush v13, $0xF;
	_ =	sdelay $0x2  }
0x104: {  	v14 =	vmov s31;
	s4 =	spop (v2sf)  }
0x105: {  	v14 =	vadd.s32 $0xFFFFFFFF, v14;
	s2 =	sadd.s32 $0x0, s4  }
0x106: {  	v14 =	vbroadcast v14, $0x0;
	s4 =	spop (v2sf);
	v15 =	vmov s2  }
0x107: {  	s2 =	sadd.s32 s4, s2;
	v15 =	vadd.s32 $0xFFFFFFFF, v15  }
0x108: {  	v7 =	vadd.s32 v7, v14;
	s7 =	spop (v2sf);
	v60 =	vmov s2;
	v15 =	vbroadcast v15, $0x0  }
0x109: {  	s2 =	sadd.s32 s7, s2;
	v14 =	vadd.s32 $0xFFFFFFFF, v60  }
0x10a: {  	v16 =	vmov s2;
	v14 =	vbroadcast v14, $0x0;
	v11 =	vadd.s32 v11, v15  }
0x10b: {  	s12 =	sadd.s32 $0xFFFFFFD0, s16;
	v61 =	vadd.s32 $0xFFFFFFFF, v16  }
0x10c: {  	v62 =	vor.u32 s12, v3;
	v15 =	vbroadcast v61, $0x0;
	v12 =	vadd.s32 v59, v14  }
0x10d: {  	s13 =	sadd.s32 $0xFFFFFFE0, s16;
	v6 =	vand.u32 $0x1FFF, v6;
	[tilespmem:v7+s20+$0x0] =	vst.idx.msk vm3, v62  }
0x10e: {  	v63 =	vor.u32 s13, v3;
	[tilespmem:v7+s21+$0x0] =	vst.idx.msk vm3, v6;
	v7 =	vadd.s32 v13, v15  }
0x10f: {  	s15 =	sadd.s32 $0xFFFFFFF0, s16;
	v6 =	vand.u32 $0x1FFF, v8;
	[tilespmem:v11+s20+$0x0] =	vst.idx.msk vm2, v63  }
0x110: {  	v8 =	vor.u32 s15, v3;
	s7 =	spop (v2sf);
	[tilespmem:v11+s21+$0x0] =	vst.idx.msk vm2, v6  }
0x111: {  	s13 =	sadd.s32 s7, s2;
	v6 =	vand.u32 $0x1FFF, v9;
	[tilespmem:v12+s20+$0x0] =	vst.idx.msk vm1, v8  }
0x112: {  	v9 =	vor.u32 s16, v3;
	v8 =	vmov s13;
	[tilespmem:v12+s21+$0x0] =	vst.idx.msk vm1, v6  }
0x113: {  	s15 =	simm.s32 $0x100;
	s4 =	simm.s32 $0x200;
	s7 =	smov.u32 s16;
	v6 =	vadd.s32 $0xFFFFFFFF, v8;
	v8 =	vand.u32 $0x1FFF, v10;
	[tilespmem:v7+s20+$0x0] =	vst.idx.msk vm0, v9  }
.LBB2_13:
0x114: {  	s12 =	sshra.s32 s15, $0x2  }
0x115: {  	[tilespmem:v7+s21+$0x0] =	vst.idx.msk vm0, v8;
	s7 =	sadd.s32 $0x40, s7;
	s15 =	smov.u32 s4;
	s2 =	sadd.s32 $0x100, s4  }
0x116: {  	p0 =	sne.s32 s4, $0x7F00;
	v7 =	vld [tilespmem:s12+$0x0]  }
0x117: {  	v8 =	vld [tilespmem:s12+$0x10]  }
0x118: {  	v9 =	vld [tilespmem:s12+$0x20]  }
0x119: {  	v10 =	vld [tilespmem:s12+$0x30];
	_ =	sdelay $0x1  }
0x11a: {  	v11 =	vshra.s32 v7, $0xD  }
0x11b: {  	vm3 =	veq.s32 v11, v5;
	v11 =	vshra.s32 v8, $0xD  }
0x11c: {  	v12 =	vsel vm3, $0x1, v4;
	vm2 =	veq.s32 v11, v5;
	v11 =	vshra.s32 v9, $0xD  }
0x11d: {  	v13 =	vsel vm2, $0x1, v4;
	vm1 =	veq.s32 v11, v5;
	v11 =	vshra.s32 v10, $0xD;
	(xrf0) =	vadd.scan.msk.s32 $0xffff, v12  }
0x11e: {  	v12 =	vsel vm1, $0x1, v4;
	vm0 =	veq.s32 v11, v5;
	(xrf0) =	vadd.scan.msk.s32 $0xffff, v13  }
0x11f: {  	v11 =	vsel vm0, $0x1, v4;
	(xrf0) =	vadd.scan.msk.s32 $0xffff, v12  }
0x120: {  	(xrf0) =	vadd.scan.msk.s32 $0xffff, v11;
	_ =	sdelay $0x1  }
0x121: {  	v6 =	vbroadcast v6, $0x0  }
0x122: {  	v11, _, _ =	vpop (xrf0)  }
0x123: {  	v12 =	vadd.s32 v11, v6;
	v13, _, _ =	vpop (xrf0);
	(v2sf) =	vpush v11, $0xF  }
0x124: {  	v11, _, _ =	vpop (xrf0);
	(v2sf) =	vpush v13, $0xF  }
0x125: {  	v14, _, _ =	vpop (xrf0);
	(v2sf) =	vpush v11, $0xF  }
0x126: {  	(v2sf) =	vpush v14, $0xF;
	_ =	sdelay $0xb  }
0x127: {  	s4 =	spop (v2sf)  }
0x128: {  	s4 =	sadd.s32 s13, s4;
	s12 =	spop (v2sf)  }
0x129: {  	v6 =	vmov s4;
	s4 =	sadd.s32 s12, s4;
	s12 =	spop (v2sf)  }
0x12a: {  	v6 =	vadd.s32 $0xFFFFFFFF, v6;
	v15 =	vmov s4;
	s4 =	sadd.s32 s12, s4;
	s12 =	spop (v2sf)  }
0x12b: {  	v16 =	vbroadcast v6, $0x0;
	v6 =	vadd.s32 $0xFFFFFFFF, v15;
	v15 =	vmov s4;
	s13 =	sadd.s32 s12, s4  }
0x12c: {  	v17 =	vmov s13;
	v18 =	vbroadcast v6, $0x0;
	v15 =	vadd.s32 $0xFFFFFFFF, v15  }
0x12d: {  	v6 =	vadd.s32 $0xFFFFFFFF, v17;
	v13 =	vadd.s32 v13, v16;
	v15 =	vbroadcast v15, $0x0  }
0x12e: {  	s4 =	sadd.s32 $0xFFFFFFD0, s7  }
0x12f: {  	v16 =	vor.u32 s4, v3;
	v11 =	vadd.s32 v11, v18  }
0x130: {  	v7 =	vand.u32 $0x1FFF, v7;
	s4 =	sadd.s32 $0xFFFFFFE0, s7;
	[tilespmem:v12+s20+$0x0] =	vst.idx.msk vm3, v16  }
0x131: {  	v16 =	vor.u32 s4, v3;
	[tilespmem:v12+s21+$0x0] =	vst.idx.msk vm3, v7;
	v7 =	vadd.s32 v14, v15  }
.Ltmp12:
0x132: {  	v8 =	vand.u32 $0x1FFF, v8;
	s4 =	sadd.s32 $0xFFFFFFF0, s7;
	[tilespmem:v13+s20+$0x0] =	vst.idx.msk vm2, v16;
	(pc) =	sbr.rel @p0 .LBB2_13-.Ltmp12, $4  }
0x133: {  	v12 =	vor.u32 s4, v3;
	[tilespmem:v13+s21+$0x0] =	vst.idx.msk vm2, v8  }
0x134: {  	v8 =	vand.u32 $0x1FFF, v9;
	[tilespmem:v11+s20+$0x0] =	vst.idx.msk vm1, v12  }
0x135: {  	v9 =	vor.u32 s7, v3;
	[tilespmem:v11+s21+$0x0] =	vst.idx.msk vm1, v8  }
0x136: {  	s4 =	smov.u32 s2;
	v8 =	vand.u32 $0x1FFF, v10;
	[tilespmem:v7+s20+$0x0] =	vst.idx.msk vm0, v9  }
0x137: {  	_ =	sdelay $0x4  }
0x138: {  	s2 =	sshra.s32 s15, $0x2;
	[tilespmem:v7+s21+$0x0] =	vst.idx.msk vm0, v8  }
0x139: {  	v7 =	vld [tilespmem:s2+$0x0];
	_ =	sdelay $0x1  }
0x13a: {  	v8 =	vld [tilespmem:s2+$0x10];
	_ =	sdelay $0x1  }
0x13b: {  	v9 =	vld [tilespmem:s2+$0x20]  }
0x13c: {  	v10 =	vshra.s32 v7, $0xD  }
0x13d: {  	vm3 =	veq.s32 v10, v5  }
0x13e: {  	v51 =	vshra.s32 v8, $0xD;
	v11 =	vsel vm3, $0x1, v4  }
0x13f: {  	vm1 =	veq.s32 v51, v5;
	(xrf0) =	vadd.scan.msk.s32 $0xffff, v11  }
0x140: {  	v52 =	vshra.s32 v9, $0xD;
	v53 =	vsel vm1, $0x1, v4  }
0x141: {  	v12 =	vld [tilespmem:s2+$0x30];
	vm15 =	veq.s32 v52, v5;
	(xrf0) =	vadd.scan.msk.s32 $0xffff, v53  }
0x142: {  	v10 =	vsel vm15, $0x1, v4  }
0x143: {  	(xrf0) =	vadd.scan.msk.s32 $0xffff, v10;
	_ =	sdelay $0x1  }
0x144: {  	v54, _, _ =	vpop (xrf0)  }
0x145: {  	v55 =	vshra.s32 v12, $0xD;
	(v2sf) =	vpush v54, $0xF  }
0x146: {  	vm2 =	veq.s32 v55, v5;
	v5, _, _ =	vpop (xrf0)  }
0x147: {  	v11 =	vsel vm2, $0x1, v4;
	(v2sf) =	vpush v5, $0xF  }
0x148: {  	(xrf0) =	vadd.scan.msk.s32 $0xffff, v11;
	v56, _, _ =	vpop (xrf0)  }
0x149: {  	(v2sf) =	vpush v56, $0xF;
	_ =	sdelay $0x4  }
0x14a: {  	v13, _, _ =	vpop (xrf0)  }
0x14b: {  	(v2sf) =	vpush v13, $0xF;
	_ =	sdelay $0x4  }
0x14c: {  	s12 =	spop (v2sf)  }
0x14d: {  	s2 =	sadd.s32 s13, s12  }
0x14e: {  	v6 =	vbroadcast v6, $0x0;
	s4 =	spop (v2sf);
	v14 =	vmov s2  }
0x14f: {  	s2 =	sadd.s32 s4, s2;
	v14 =	vadd.s32 $0xFFFFFFFF, v14  }
0x150: {  	v6 =	vadd.s32 v54, v6;
	s15 =	spop (v2sf);
	v57 =	vmov s2;
	v14 =	vbroadcast v14, $0x0  }
0x151: {  	s2 =	sadd.s32 s15, s2;
	v10 =	vadd.s32 $0xFFFFFFFF, v57  }
0x152: {  	s4 =	sadd.s32 $0x40, s7;
	v15 =	vmov s2;
	v10 =	vbroadcast v10, $0x0;
	v5 =	vadd.s32 v5, v14  }
0x153: {  	s7 =	sadd.s32 $0xFFFFFFD0, s4;
	v58 =	vadd.s32 $0xFFFFFFFF, v15  }
0x154: {  	v59 =	vor.u32 s7, v3;
	v14 =	vbroadcast v58, $0x0;
	v10 =	vadd.s32 v56, v10  }
0x155: {  	v7 =	vand.u32 $0x1FFF, v7;
	s12 =	sadd.s32 $0xFFFFFFE0, s4;
	[tilespmem:v6+s20+$0x0] =	vst.idx.msk vm3, v59  }
0x156: {  	v60 =	vor.u32 s12, v3;
	s13 =	spop (v2sf);
	[tilespmem:v6+s21+$0x0] =	vst.idx.msk vm3, v7;
	v6 =	vadd.s32 v13, v14  }
0x157: {  	s15 =	sadd.s32 $0xFFFFFFF0, s4;
	v7 =	vand.u32 $0x1FFF, v8;
	s2 =	sadd.s32 s13, s2;
	[tilespmem:v5+s20+$0x0] =	vst.idx.msk vm1, v60  }
0x158: {  	v61 =	vor.u32 s15, v3;
	[tilespmem:v5+s21+$0x0] =	vst.idx.msk vm1, v7;
	v5 =	vadd.s32 s2, v3  }
0x159: {  	s12 =	sadd.s32 $0x10, s2;
	v7 =	vand.u32 $0x1FFF, v9;
	[tilespmem:v10+s20+$0x0] =	vst.idx.msk vm15, v61  }
0x15a: {  	v62 =	vor.u32 s4, v3;
	[tilespmem:v10+s21+$0x0] =	vst.idx.msk vm15, v7;
	v7 =	vadd.s32 s12, v3  }
0x15b: {  	v63 =	vand.u32 $0x1FFF, v12;
	s13 =	sadd.s32 $0x20, s2;
	[tilespmem:v6+s20+$0x0] =	vst.idx.msk vm2, v62  }
0x15c: {  	s7 =	simm.s32 $0x2000;
	[tilespmem:v6+s21+$0x0] =	vst.idx.msk vm2, v63;
	v6 =	vadd.s32 s13, v3  }
0x15d: {  	s15 =	sadd.s32 $0x30, s2;
	[tilespmem:v5+s7+$0x0] =	vst.idx.msk $0xffff, v0  }
0x15e: {  	[tilespmem:v5+s21+$0x0] =	vst.idx.msk $0xffff, v1;
	v5 =	vadd.s32 s15, v3  }
0x15f: {  	s12 =	sadd.s32 $0x40, s2;
	[tilespmem:v7+s7+$0x0] =	vst.idx.msk $0xffff, v0  }
0x160: {  	[tilespmem:v7+s21+$0x0] =	vst.idx.msk $0xffff, v1;
	v7 =	vadd.s32 s12, v3  }
0x161: {  	s13 =	sadd.s32 $0x50, s2;
	[tilespmem:v6+s7+$0x0] =	vst.idx.msk $0xffff, v0  }
0x162: {  	[tilespmem:v6+s21+$0x0] =	vst.idx.msk $0xffff, v1;
	v6 =	vadd.s32 s13, v3  }
0x163: {  	s15 =	sadd.s32 $0x60, s2;
	[tilespmem:v5+s7+$0x0] =	vst.idx.msk $0xffff, v0  }
0x164: {  	[tilespmem:v5+s21+$0x0] =	vst.idx.msk $0xffff, v1;
	v5 =	vadd.s32 s15, v3  }
0x165: {  	s12 =	sadd.s32 $0x70, s2;
	[tilespmem:v7+s7+$0x0] =	vst.idx.msk $0xffff, v0  }
0x166: {  	[tilespmem:v7+s21+$0x0] =	vst.idx.msk $0xffff, v1;
	v7 =	vadd.s32 s12, v3  }
0x167: {  	[tilespmem:v6+s7+$0x0] =	vst.idx.msk $0xffff, v0  }
0x168: {  	[tilespmem:v6+s21+$0x0] =	vst.idx.msk $0xffff, v1  }
0x169: {  	[tilespmem:v5+s7+$0x0] =	vst.idx.msk $0xffff, v0  }
0x16a: {  	[tilespmem:v5+s21+$0x0] =	vst.idx.msk $0xffff, v1  }
0x16b: {  	[tilespmem:v7+s7+$0x0] =	vst.idx.msk $0xffff, v0  }
0x16c: {  	[tilespmem:v7+s21+$0x0] =	vst.idx.msk $0xffff, v1  }
0x16d: {  	_ =	swait.ge [sflag:s28], $0x2000  }
0x16e: {  	[sflag:s28] =	ssyncset.done $0x0  }
0x16f: {  	[sflag:s28] =	ssyncadd.s32 $0xFFFFE000  }
0x170: {  	[spmem:s6] =	stream.linear.scatter [tilespmem:s22], [sflag:$0x1], $0x4000, $0x38;
	[tilespmem:$0x1E200] =	vst v63  }
0x171: {  	_ = 	snop  }
0x172: {  	[spmem:s9] =	stream.linear.scatter [tilespmem:s22], [sflag:$0x1], $0x4000, $0x38;
	[tilespmem:$0x1E200] =	vst v63  }
0x173: {  	_ = 	snop  }
0x174: {  	[spmem:s10] =	stream.linear.scatter [tilespmem:s22], [sflag:$0x1], $0x4000, $0x38;
	[tilespmem:$0x1E200] =	vst v63  }
0x175: {  	_ = 	snop  }
0x176: {  	[spmem:s11] =	stream.linear.scatter [tilespmem:s22], [sflag:$0x1], $0x4000, $0x38;
	[tilespmem:$0x1E200] =	vst v63  }
0x177: {  	s2 =	sadd.s32 $0x7F, s2;
	_ =	swait.ge [sflag:s23], $0x4000  }
0x178: {  	s13 =	sand.u32 $0x7F, s2;
	[sflag:s23] =	ssyncset.done $0x0  }
0x179: {  	p1 =	slt.s32 s2, $0x1;
	p0 =	sne.s32 s13, $0x0;
	[sflag:s23] =	ssyncadd.s32 $0xFFFFC000  }
0x17a: {  	s15 =	sshra.s32 s2, $0x1F;
	p0 =	por !p1, !p0;
	_ =	swait.ge [sflag:s23], $0x4000  }
0x17b: {  	s4 =	sshrl.u32 s15, $0x19;
	p0 =	por !p0, !p0;
	[sflag:s23] =	ssyncset.done $0x0  }
0x17c: {  	s2 =	sadd.s32 s4, s2;
	s4 =	simm.s32 $0x1;
	[sflag:s23] =	ssyncadd.s32 $0xFFFFC000  }
0x17d: {  	s2 =	sshra.s32 s2, $0x7;
	s4 =	simm.s32 @!p0 $0x0;
	_ =	swait.ge [sflag:s23], $0x4000  }
0x17e: {  	s13 =	ssub.s32 s2, s4;
	[sflag:s23] =	ssyncset.done $0x0  }
0x17f: {  	p0 =	slt.s32 s13, $0x1;
	[sflag:s23] =	ssyncadd.s32 $0xFFFFC000  }
.Ltmp13:
0x180: {  	_ =	swait.ge [sflag:s23], $0x4000;
	(pc) =	sbr.rel @p0 .LBB2_18-.Ltmp13, $4  }
0x181: {  	[sflag:s23] =	ssyncset.done $0x0  }
0x182: {  	[sflag:s23] =	ssyncadd.s32 $0xFFFFC000  }
0x183: {  	[bflag:$0x0] =	sbarrier.arrive $0xFFFF  }
0x184: {  	s4 =	simm.s32 $0x40C0  }
0x185: {  	v5 =	vld [tilespmem:s4+$0xFFFFFFC0];
	_ =	sdelay $0x4  }
0x186: {  	[tilespmem:$0x6100] =	vst v5  }
0x187: {  	v5 =	vld [tilespmem:s4+$0xFFFFFFD0];
	_ =	sdelay $0x4  }
0x188: {  	[tilespmem:$0x6110] =	vst v5  }
0x189: {  	v5 =	vld [tilespmem:s4+$0xFFFFFFE0];
	_ =	sdelay $0x4  }
0x18a: {  	[tilespmem:$0x6120] =	vst v5  }
0x18b: {  	v5 =	vld [tilespmem:s4+$0xFFFFFFF0];
	_ =	sdelay $0x4  }
0x18c: {  	[tilespmem:$0x6130] =	vst v5  }
0x18d: {  	v5 =	vld [tilespmem:s4+$0x0];
	_ =	sdelay $0x4  }
0x18e: {  	[tilespmem:$0x6140] =	vst v5  }
0x18f: {  	v5 =	vld [tilespmem:s4+$0x10];
	_ =	sdelay $0x4  }
0x190: {  	[tilespmem:$0x6150] =	vst v5  }
0x191: {  	v5 =	vld [tilespmem:s4+$0x20];
	_ =	sdelay $0x4  }
0x192: {  	[tilespmem:$0x6160] =	vst v5  }
0x193: {  	v5 =	vld [tilespmem:s4+$0x30];
	_ =	sdelay $0x4  }
0x194: {  	[tilespmem:$0x6170] =	vst v5  }
0x195: {  	[tilespmem:s24], [sflag:$0x2] =	stream.indirect.gather [hbm4b:s1+s17], $0x80, s7, s17, $0xb8;
	[tilespmem:$0x1E200] =	vst v63  }
0x196: {  	p0 =	sne.s32 s13, $0x1;
	_ =	swait.ge [sflag:s25], $0x4000  }
.Ltmp14:
0x197: {  	[sflag:s25] =	ssyncset.done $0x0;
	(pc) =	sbr.rel @!p0 .LBB2_17-.Ltmp14, $4  }
0x198: {  	[sflag:s25] =	ssyncadd.s32 $0xFFFFC000  }
0x199: {  	[spmem:s3] =	stream.indirect.scatter.add.f32 [tilespmem:s24], [sflag:$0x4], $0x80, s26, s17, $0xb8;
	[tilespmem:$0x1E200] =	vst v63  }
0x19a: {  	_ =	swait.ge [sflag:s19], $0x4000  }
0x19b: {  	s13 =	sadd.s32 $0xFFFFFFFF, s13;
	[sflag:s19] =	ssyncset.done $0x0  }
.LBB2_16:
0x19c: {  	[sflag:s19] =	ssyncadd.s32 $0xFFFFC000;
	s7 =	sadd.s32 $0x80, s7;
	s4 =	sadd.s32 $0x80, s4  }
0x19d: {  	p0 =	sne.s32 s13, $0x1;
	s13 =	sadd.s32 $0xFFFFFFFF, s13;
	v5 =	vld [tilespmem:s4+$0xFFFFFFC0];
	_ =	sdelay $0x4  }
0x19e: {  	[tilespmem:$0x6100] =	vst v5  }
0x19f: {  	v5 =	vld [tilespmem:s4+$0xFFFFFFD0];
	_ =	sdelay $0x4  }
0x1a0: {  	[tilespmem:$0x6110] =	vst v5  }
0x1a1: {  	v5 =	vld [tilespmem:s4+$0xFFFFFFE0];
	_ =	sdelay $0x4  }
0x1a2: {  	[tilespmem:$0x6120] =	vst v5  }
0x1a3: {  	v5 =	vld [tilespmem:s4+$0xFFFFFFF0];
	_ =	sdelay $0x4  }
0x1a4: {  	[tilespmem:$0x6130] =	vst v5  }
0x1a5: {  	v5 =	vld [tilespmem:s4+$0x0];
	_ =	sdelay $0x4  }
0x1a6: {  	[tilespmem:$0x6140] =	vst v5  }
0x1a7: {  	v5 =	vld [tilespmem:s4+$0x10];
	_ =	sdelay $0x4  }
0x1a8: {  	[tilespmem:$0x6150] =	vst v5  }
0x1a9: {  	v5 =	vld [tilespmem:s4+$0x20];
	_ =	sdelay $0x4  }
0x1aa: {  	[tilespmem:$0x6160] =	vst v5  }
0x1ab: {  	v5 =	vld [tilespmem:s4+$0x30];
	_ =	sdelay $0x4  }
0x1ac: {  	[tilespmem:$0x6170] =	vst v5  }
0x1ad: {  	[tilespmem:s24], [sflag:$0x2] =	stream.indirect.gather [hbm4b:s1+s17], $0x80, s7, s17, $0xb8;
	[tilespmem:$0x1E200] =	vst v63  }
0x1ae: {  	_ =	swait.ge [sflag:s25], $0x4000  }
.Ltmp15:
0x1af: {  	[sflag:s25] =	ssyncset.done $0x0;
	(pc) =	sbr.rel @p0 .LBB2_16-.Ltmp15, $4  }
0x1b0: {  	[sflag:s25] =	ssyncadd.s32 $0xFFFFC000  }
0x1b1: {  	[spmem:s3] =	stream.indirect.scatter.add.f32 [tilespmem:s24], [sflag:$0x4], $0x80, s26, s17, $0xb8;
	[tilespmem:$0x1E200] =	vst v63  }
0x1b2: {  	_ =	swait.ge [sflag:s19], $0x4000  }
0x1b3: {  	[sflag:s19] =	ssyncset.done $0x0  }
.Ltmp16:
0x1b4: {  	_ = 	snop;
	(pc) =	sbr.rel .LBB2_17-.Ltmp16, $1  }
0x1b5: {  	_ =	sdelay $0x3  }
.LBB2_20:
0x1b6: {  	_ =	sfence.sel $0x180000  }
0x1b7: {  	[bflag:$0x0] =	sbarrier.arrive $0xFFFF  }
0x1b8: {  	_ =	strace $0x90000047  }
0x1b9: {  	[bflag:$0x2] =	sbarrier.arrive $0xFFFF  }
0x1ba: {  	p0 =	sne.s32 s12, $0x0;
	s0 =	rddreg [dreg:$0x3]  }
0x1bb: {  	s0 =	sadd.s32 @!p0 $0x100000, s0  }
0x1bc: {  	[sflag:s0] =	ssyncadd.tile.s32 @!p0 $0x1;
	_ =	shalt  }
.Lfunc_end2:
_tile_overlayer_lowered:
.L_overlay_start_2:
0x1bd: {  	(tag) =	ssettag $0x2  }
0x1be: {  	s0 =	rddreg [dreg:$0x0];
	s2 =	stileid.u32  }
0x1bf: {  	s1 =	rddreg [dreg:$0x1];
	p0 =	sne.s32 s2, $0x0  }
0x1c0: {  	s3 =	rddreg [dreg:$0x2];
	[bflag:$0x3] =	sbarrier.arrive $0xFFFF;
	s2 =	simm.s32 @!p0 $0x1C04  }
0x1c1: {  	[timem:s3], [sflag:s2] =	dma.local @!p0 [hbm:s0], s1  }
0x1c2: {  	s0 =	simm.s32 @!p0 $0x4  }
0x1c3: {  	_ =	swait.ge @!p0 [sflag:s0], s1  }
0x1c4: {  	s1 =	ssub.s32 @!p0 $0x0, s1;
	[sflag:s0] =	ssyncset.done @!p0 $0x0  }
0x1c5: {  	[sflag:s0] =	ssyncadd.s32 @!p0 s1  }
0x1c6: {  	[bflag:$0x3] =	sbarrier.arrive $0xFFFF  }
0x1c7: {  	_ =	shalt  }

</sc_bundles>
